<compile_context>
chip_gen: v7x
topology: tpu7x:2x2x1
jax: 0.10.2.dev20260603
libtpu: 0.0.44.dev20260713+nightly
codegen_flags: <defaults>
</compile_context>

<pallas_src>
import functools

import jax
import jax.numpy as jnp
from jax import lax
from jax.experimental import pallas as pl
from jax.experimental.pallas import tpu as pltpu
from jax.experimental.pallas import tpu_sc as plsc

N = 10000
E = 320000
G = 16
D = 128
DE = 16

_HI = jax.lax.Precision.HIGHEST


_NB1 = 400


def _tc1_body(x_ref, we1_ref, m_ref, c1_ref, q_ref, p_ref):
    xb = x_ref[...]
    q_ref[...] = jnp.dot(xb, we1_ref[...], preferred_element_type=jnp.float32,
                         precision=_HI)
    p_ref[...] = jnp.dot(xb, m_ref[...], preferred_element_type=jnp.float32,
                         precision=_HI) + c1_ref[...]


def _tc1(x, we1, m, c1):
    nblk = N // _NB1
    return pl.pallas_call(
        _tc1_body,
        grid=(nblk,),
        in_specs=[
            pl.BlockSpec((_NB1, D), lambda i: (i, 0)),
            pl.BlockSpec((D, DE), lambda i: (0, 0)),
            pl.BlockSpec((D, D), lambda i: (0, 0)),
            pl.BlockSpec((1, D), lambda i: (0, 0)),
        ],
        out_specs=[
            pl.BlockSpec((_NB1, DE), lambda i: (i, 0)),
            pl.BlockSpec((_NB1, D), lambda i: (i, 0)),
        ],
        out_shape=[
            jax.ShapeDtypeStruct((N, DE), jnp.float32),
            jax.ShapeDtypeStruct((N, D), jnp.float32),
        ],
    )(x, we1, m, c1)



_NC = 2
_NS = 16
_NW = _NC * _NS
_EPW = E // _NW
_CH = 2000
_NCHUNK = _EPW // _CH


def _sc_body(q_hbm, row_hbm, col_hbm, g_hbm, maskp_hbm,
             idx_v, rows_v, mask_v, sem):
    wid = lax.axis_index("s") * _NC + lax.axis_index("c")
    base = wid * _EPW

    def _zero(j, carry):
        mask_v[pl.ds(j * 16, 16)] = jnp.zeros((16,), jnp.float32)
        return carry

    lax.fori_loop(0, N // 16, _zero, 0)

    ones16 = jnp.ones((16,), jnp.float32)
    for c in range(_NCHUNK):
        cb = base + c * _CH
        pltpu.sync_copy(row_hbm.at[pl.ds(cb, _CH)], idx_v)
        pltpu.async_copy(q_hbm.at[idx_v], rows_v, sem).wait()
        pltpu.sync_copy(rows_v, g_hbm.at[pl.ds(cb, _CH)])
        pltpu.sync_copy(col_hbm.at[pl.ds(cb, _CH)], idx_v)

        def _scat(j, carry):
            iv = idx_v[pl.ds(j * 16, 16)]
            plsc.store_scatter(mask_v, [iv], ones16)
            return carry

        lax.fori_loop(0, _CH // 16, _scat, 0)

    pltpu.sync_copy(mask_v, maskp_hbm.at[wid])


def _sc_gather_mask(q, row, col):
    mesh = plsc.VectorSubcoreMesh(core_axis_name="c", subcore_axis_name="s",
                                  num_cores=_NC, num_subcores=_NS)
    k = functools.partial(
        pl.kernel,
        out_type=[
            jax.ShapeDtypeStruct((E, DE), jnp.float32),
            jax.ShapeDtypeStruct((_NW, N), jnp.float32),
        ],
        mesh=mesh,
        scratch_types=[
            pltpu.VMEM((_CH,), jnp.int32),
            pltpu.VMEM((_CH, DE), jnp.float32),
            pltpu.VMEM((N,), jnp.float32),
            pltpu.SemaphoreType.DMA,
        ],
        compiler_params=pltpu.CompilerParams(needs_layout_passes=False,
                                             use_tc_tiling_on_sc=False),
    )(_sc_body)
    return k(q, row, col)



_EB = 2000


def _tc2_body(g_ref, ea_ref, w2_ref, be_ref, e_ref):
    acc = jnp.dot(ea_ref[...], w2_ref[...], preferred_element_type=jnp.float32,
                  precision=_HI)
    e_ref[...] = jnp.maximum(g_ref[...] + acc + be_ref[...], 0.0)


def _tc2(g, ea, w2, be):
    nblk = E // _EB
    return pl.pallas_call(
        _tc2_body,
        grid=(nblk,),
        in_specs=[
            pl.BlockSpec((_EB, DE), lambda i: (i, 0)),
            pl.BlockSpec((_EB, DE), lambda i: (i, 0)),
            pl.BlockSpec((DE, DE), lambda i: (0, 0)),
            pl.BlockSpec((1, DE), lambda i: (0, 0)),
        ],
        out_specs=pl.BlockSpec((_EB, DE), lambda i: (i, 0)),
        out_shape=jax.ShapeDtypeStruct((E, DE), jnp.float32),
    )(g, ea, w2, be)



_NB3 = 400


def _tc3_body(p_ref, maskp_ref, batch_ref, glob_ref, wn2b_ref, bn2_ref,
              wg1_ref, wg2_ref, bg_ref, xn_ref, un_ref, acc_ref, cnt_ref):
    i = pl.program_id(0)
    nblk = pl.num_programs(0)

    @pl.when(i == 0)
    def _():
        acc_ref[...] = jnp.zeros_like(acc_ref)
        cnt_ref[...] = jnp.zeros_like(cnt_ref)

    m = (jnp.sum(maskp_ref[...], axis=1, keepdims=True) > 0.0
         ).astype(jnp.float32)
    oh = (batch_ref[...] ==
          lax.broadcasted_iota(jnp.int32, (_NB3, G), 1)).astype(jnp.float32)
    gb = jnp.dot(glob_ref[...], wn2b_ref[...],
                 preferred_element_type=jnp.float32, precision=_HI)
    xn = jnp.maximum(
        p_ref[...] * m
        + jnp.dot(oh, gb, preferred_element_type=jnp.float32, precision=_HI)
        + bn2_ref[...], 0.0)
    xn_ref[...] = xn
    acc_ref[...] += lax.dot_general(oh, xn, (((0,), (0,)), ((), ())),
                                    preferred_element_type=jnp.float32,
                                    precision=_HI)
    cnt_ref[...] += lax.dot_general(oh, jnp.ones((_NB3, D), jnp.float32),
                                    (((0,), (0,)), ((), ())),
                                    preferred_element_type=jnp.float32,
                                    precision=_HI)

    @pl.when(i == nblk - 1)
    def _():
        mean = acc_ref[...] / jnp.maximum(cnt_ref[...], 1.0)
        u = jnp.dot(glob_ref[...], wg1_ref[...],
                    preferred_element_type=jnp.float32, precision=_HI)
        u += jnp.dot(mean, wg2_ref[...],
                     preferred_element_type=jnp.float32, precision=_HI)
        un_ref[...] = jnp.maximum(u + bg_ref[...], 0.0)


def _tc3(p, maskp, batch2, glob, wn2b, bn2, wg1, wg2, bg):
    nblk = N // _NB3
    return pl.pallas_call(
        _tc3_body,
        grid=(nblk,),
        in_specs=[
            pl.BlockSpec((_NB3, D), lambda i: (i, 0)),
            pl.BlockSpec((_NB3, _NW), lambda i: (i, 0)),
            pl.BlockSpec((_NB3, 1), lambda i: (i, 0)),
            pl.BlockSpec((G, D), lambda i: (0, 0)),
            pl.BlockSpec((D, D), lambda i: (0, 0)),
            pl.BlockSpec((1, D), lambda i: (0, 0)),
            pl.BlockSpec((D, D), lambda i: (0, 0)),
            pl.BlockSpec((D, D), lambda i: (0, 0)),
            pl.BlockSpec((1, D), lambda i: (0, 0)),
        ],
        out_specs=[
            pl.BlockSpec((_NB3, D), lambda i: (i, 0)),
            pl.BlockSpec((G, D), lambda i: (0, 0)),
        ],
        out_shape=[
            jax.ShapeDtypeStruct((N, D), jnp.float32),
            jax.ShapeDtypeStruct((G, D), jnp.float32),
        ],
        scratch_shapes=[
            pltpu.VMEM((G, D), jnp.float32),
            pltpu.VMEM((G, D), jnp.float32),
        ],
    )(p, maskp, batch2, glob, wn2b, bn2, wg1, wg2, bg)



def kernel(x, edge_index, edge_attr, glob, batch, W_edge, b_edge, W_le, b_le,
           W_n, b_n, W_n2, b_n2, W_g, b_g, a):
    del W_le, b_le, a
    row = edge_index[0]
    col = edge_index[1]

    we1 = W_edge[:D]
    w2 = W_edge[D:]
    wn2a = W_n2[:D]
    wn2b = W_n2[D:]
    m_fold = jnp.dot(W_n, wn2a, precision=_HI)
    c1 = (b_n @ wn2a)[None, :]

    q, p = _tc1(x, we1, m_fold, c1)
    g_rows, maskp = _sc_gather_mask(q, row, col)
    e = _tc2(g_rows, edge_attr, w2, b_edge[None, :])
    x_new, u_new = _tc3(p, maskp.T, batch[:, None], glob, wn2b, b_n2[None, :],
                        W_g[:D], W_g[D:], b_g[None, :])
    return (x_new, e, u_new)

# --- scband reference (transcript-rebuilt; emitter-appended) ---
"""Pipeline reference for scband-gatv2-block-14388140442034 (READ-ONLY COPY).

The authoritative reference and input builder live on the scoring server;
editing this copy changes nothing except your own understanding.
"""

import jax, jax.numpy as jnp
import numpy as np

N = 10000
E = 320000
G = 16
NODE_IN = 128
EDGE_IN = 16
GLOBAL_IN = 128
NODE_OUT = 128
EDGE_OUT = 16
GLOBAL_OUT = 128


def _glorot(key, shape):
    lim = np.sqrt(6.0 / (shape[0] + shape[1]))
    return jax.random.uniform(key, shape, jnp.float32, -lim, lim)


def setup_inputs(seed: int = 0):
    key = jax.random.key(seed)
    ks = jax.random.split(key, 12)
    x = jax.random.normal(ks[0], (N, NODE_IN), dtype=jnp.float32)
    edge_index = jax.random.randint(ks[1], (2, E), 0, N, dtype=jnp.int32)
    edge_attr = jax.random.normal(ks[2], (E, EDGE_IN), dtype=jnp.float32)
    glob = jax.random.normal(ks[3], (G, GLOBAL_IN), dtype=jnp.float32)
    batch = jnp.sort(jax.random.randint(ks[4], (N,), 0, G, dtype=jnp.int32))
    W_edge = _glorot(ks[5], (NODE_IN + EDGE_IN, EDGE_OUT))
    b_edge = jnp.zeros((EDGE_OUT,), jnp.float32)
    W_le = _glorot(ks[6], (2 * NODE_IN + EDGE_OUT, NODE_OUT))
    b_le = jnp.zeros((NODE_OUT,), jnp.float32)
    W_n = _glorot(ks[7], (NODE_IN, NODE_OUT))
    b_n = jnp.zeros((NODE_OUT,), jnp.float32)
    W_n2 = _glorot(ks[8], (NODE_OUT + GLOBAL_IN, NODE_OUT))
    b_n2 = jnp.zeros((NODE_OUT,), jnp.float32)
    W_g = _glorot(ks[9], (GLOBAL_IN + NODE_OUT, GLOBAL_OUT))
    b_g = jnp.zeros((GLOBAL_OUT,), jnp.float32)
    a = jax.random.normal(ks[10], (1, NODE_OUT), dtype=jnp.float32)
    return {"x": x, "edge_index": edge_index, "edge_attr": edge_attr, "glob": glob, "batch": batch,
            "W_edge": W_edge, "b_edge": b_edge, "W_le": W_le, "b_le": b_le, "W_n": W_n, "b_n": b_n,
            "W_n2": W_n2, "b_n2": b_n2, "W_g": W_g, "b_g": b_g, "a": a}


def reference(x, edge_index, edge_attr, glob, batch, W_edge, b_edge, W_le, b_le, W_n, b_n, W_n2, b_n2, W_g, b_g, a):
    row = edge_index[0]
    col = edge_index[1]
    # edge model: uses src node features + edge_attr
    e = jax.nn.relu(jnp.concatenate([x[row], edge_attr], axis=1) @ W_edge + b_edge)
    # node model: GATv2-style attention
    leaky = jnp.concatenate([x[row], x[col], e], axis=1) @ W_le + b_le
    leaky = jax.nn.leaky_relu(leaky, 0.2)
    alpha = jnp.sum(leaky * a, axis=-1)
    amax = jax.ops.segment_max(alpha, col, num_segments=N)
    amax = jnp.where(jnp.isfinite(amax), amax, 0.0)
    amax = jax.lax.stop_gradient(amax)
    ex = jnp.exp(alpha - amax[col])
    denom = jax.ops.segment_sum(ex, col, num_segments=N)
    alpha = ex / (denom[col] + 1e-16)
    nodes = x @ W_n + b_n
    agg = jax.ops.segment_sum(nodes[col] * alpha[:, None], col, num_segments=N)
    x_new = jax.nn.relu(jnp.concatenate([agg, glob[batch]], axis=1) @ W_n2 + b_n2)
    # global model: scatter_mean over batch
    counts = jax.ops.segment_sum(jnp.ones((N,), jnp.float32), batch, num_segments=G)
    mean = jax.ops.segment_sum(x_new, batch, num_segments=G) / jnp.maximum(counts, 1.0)[:, None]
    u_new = jax.nn.relu(jnp.concatenate([glob, mean], axis=1) @ W_g + b_g)
    return (x_new, e, u_new)

if __name__ == "__main__":
    import jax
    _d = setup_inputs()
    print(jax.jit(kernel)(*tuple(_d.values())))

</pallas_src>

<mosaic_0001>
#map = affine_map<(d0, d1) -> (0, 0)>
#map1 = affine_map<(d0, d1) -> (0)>
module attributes {stable_mosaic.version = 14 : i64} {
  func.func @_sc_body(%arg0: i32, %arg1: i32, %arg2: memref<10000x16xf32, #tpu.memory_space<hbm>>, %arg3: memref<320000xi32, #tpu.memory_space<hbm>>, %arg4: memref<320000xi32, #tpu.memory_space<hbm>>, %arg5: memref<320000x16xf32, #tpu.memory_space<hbm>>, %arg6: memref<32x10000xf32, #tpu.memory_space<hbm>>, %arg7: memref<2000xi32, #tpu.memory_space<vmem>>, %arg8: memref<2000x16xf32, #tpu.memory_space<vmem>>, %arg9: memref<10000xf32, #tpu.memory_space<vmem>>, %arg10: memref<!tpu.dma_semaphore, #tpu.memory_space<semaphore_mem>>) attributes {dimension_semantics = [#tpu.dimension_semantics<core_parallel>, #tpu.dimension_semantics<subcore_parallel>], iteration_bounds = array<i64: 2, 16>, scalar_prefetch = 0 : i64, scratch_operands = 4 : i64, tpu.core_type = #tpu.core_type<sc_vector_subcore>, window_params = [{transform_indices = #map}, {transform_indices = #map1}, {transform_indices = #map1}, {transform_indices = #map}, {transform_indices = #map}]} {
    %mul3A = arith.constant 2 : i32
    %mul3A_0 = arith.muli %arg1, %mul3A : i32
    %add3A = arith.addi %mul3A_0, %arg0 : i32
    %mul3A_1 = arith.constant 10000 : i32
    %mul3A_2 = arith.muli %add3A, %mul3A_1 : i32
    %scan3A = arith.constant 0 : i32
    %scan3A_3 = arith.constant 0 : i32
    %scan3A_4 = arith.constant 625 : i32
    %scan3A_5 = arith.addi %scan3A_3, %scan3A_4 : i32
    %scan3A_6 = arith.constant 1 : i32
    scf.for %scan3A_77 = %scan3A_3 to %scan3A_5 step %scan3A_6  : i32 {
      %broadcast_in_dim3A_78 = arith.constant 0.000000e+00 : f32
      %broadcast_in_dim3A_79 = vector.broadcast %broadcast_in_dim3A_78 : f32 to vector<16xf32>
      %mul3A_80 = arith.constant 16 : i32
      %mul3A_81 = arith.muli %scan3A_77, %mul3A_80 : i32
      %swap3A = arith.index_cast %mul3A_81 : i32 to index
      %swap3A_82 = tpu.vector_load %arg9[%swap3A] {strides = array<i32>} : memref<10000xf32, #tpu.memory_space<vmem>>, vector<16xf32>,
      tpu.vector_store %arg9[%swap3A], %broadcast_in_dim3A_79 {strides = array<i32>} : memref<10000xf32, #tpu.memory_space<vmem>>, vector<16xf32>,
    }
    %scan3A_7 = arith.constant 625 : i32
    %broadcast_in_dim3A = arith.constant 1.000000e+00 : f32
    %broadcast_in_dim3A_8 = vector.broadcast %broadcast_in_dim3A : f32 to vector<16xf32>
    %add3A_9 = arith.constant 0 : i32
    %add3A_10 = arith.addi %mul3A_2, %add3A_9 : i32
    "tpu.region"() ({
      %run_scoped3A = tpu.sem_alloc : memref<!tpu.dma_semaphore, #tpu.memory_space<semaphore_mem>>
      %dma_start3A_77 = tpu.memref_slice %arg3[%add3A_10] : memref<320000xi32, #tpu.memory_space<hbm>> -> memref<2000xi32, #tpu.memory_space<hbm>>
      %dma_start3A_78 = tpu.memref_slice %arg3[%add3A_10] : memref<320000xi32, #tpu.memory_space<hbm>> -> memref<2000xi32, #tpu.memory_space<hbm>>
      tpu.enqueue_dma source(%dma_start3A_78 : memref<2000xi32, #tpu.memory_space<hbm>>) target(%arg7 : memref<2000xi32, #tpu.memory_space<vmem>>) target_semaphore(%run_scoped3A : memref<!tpu.dma_semaphore, #tpu.memory_space<semaphore_mem>>)
      %dma_wait3A_79 = tpu.memref_slice %arg3[%add3A_10] : memref<320000xi32, #tpu.memory_space<hbm>> -> memref<2000xi32, #tpu.memory_space<hbm>>
      %dma_wait3A_80 = tpu.memref_slice %arg3[%add3A_10] : memref<320000xi32, #tpu.memory_space<hbm>> -> memref<2000xi32, #tpu.memory_space<hbm>>
      tpu.wait_dma2 semaphore(%run_scoped3A : memref<!tpu.dma_semaphore, #tpu.memory_space<semaphore_mem>>) src(%dma_wait3A_80 : memref<2000xi32, #tpu.memory_space<hbm>>) dst(%arg7 : memref<2000xi32, #tpu.memory_space<vmem>>)
      tpu.yield
    }) : () -> ()
    %dma_start3A = arith.constant 0 : i32
    %dma_start3A_11 = arith.constant 0 : i32
    %dma_start3A_12 = tpu.memref_slice %arg2[%dma_start3A, %dma_start3A_11] : memref<10000x16xf32, #tpu.memory_space<hbm>> -> memref<10000x16xf32, #tpu.memory_space<hbm>>
    tpu.enqueue_indirect_dma source(%dma_start3A_12 : memref<10000x16xf32, #tpu.memory_space<hbm>>) target(%arg8 : memref<2000x16xf32, #tpu.memory_space<vmem>>) offsets(%arg7 : memref<2000xi32, #tpu.memory_space<vmem>>) semaphore(%arg10 : memref<!tpu.dma_semaphore, #tpu.memory_space<semaphore_mem>>)
    %dma_wait3A = arith.constant 0 : i32
    %dma_wait3A_13 = arith.constant 0 : i32
    %dma_wait3A_14 = tpu.memref_slice %arg2[%dma_wait3A, %dma_wait3A_13] : memref<10000x16xf32, #tpu.memory_space<hbm>> -> memref<10000x16xf32, #tpu.memory_space<hbm>>
    tpu.wait_indirect_dma semaphore(%arg10 : memref<!tpu.dma_semaphore, #tpu.memory_space<semaphore_mem>>) src(%dma_wait3A_14 : memref<10000x16xf32, #tpu.memory_space<hbm>>) dst(%arg8 : memref<2000x16xf32, #tpu.memory_space<vmem>>)
    "tpu.region"() ({
      %run_scoped3A = tpu.sem_alloc : memref<!tpu.dma_semaphore, #tpu.memory_space<semaphore_mem>>
      %dma_start3A_77 = arith.constant 0 : i32
      %dma_start3A_78 = tpu.memref_slice %arg5[%add3A_10, %dma_start3A_77] : memref<320000x16xf32, #tpu.memory_space<hbm>> -> memref<2000x16xf32, #tpu.memory_space<hbm>>
      %dma_start3A_79 = arith.constant 0 : i32
      %dma_start3A_80 = tpu.memref_slice %arg5[%add3A_10, %dma_start3A_79] : memref<320000x16xf32, #tpu.memory_space<hbm>> -> memref<2000x16xf32, #tpu.memory_space<hbm>>
      tpu.enqueue_dma source(%arg8 : memref<2000x16xf32, #tpu.memory_space<vmem>>) target(%dma_start3A_80 : memref<2000x16xf32, #tpu.memory_space<hbm>>) target_semaphore(%run_scoped3A : memref<!tpu.dma_semaphore, #tpu.memory_space<semaphore_mem>>)
      %dma_wait3A_81 = arith.constant 0 : i32
      %dma_wait3A_82 = tpu.memref_slice %arg5[%add3A_10, %dma_wait3A_81] : memref<320000x16xf32, #tpu.memory_space<hbm>> -> memref<2000x16xf32, #tpu.memory_space<hbm>>
      %dma_wait3A_83 = arith.constant 0 : i32
      %dma_wait3A_84 = tpu.memref_slice %arg5[%add3A_10, %dma_wait3A_83] : memref<320000x16xf32, #tpu.memory_space<hbm>> -> memref<2000x16xf32, #tpu.memory_space<hbm>>
      tpu.wait_dma2 semaphore(%run_scoped3A : memref<!tpu.dma_semaphore, #tpu.memory_space<semaphore_mem>>) src(%arg8 : memref<2000x16xf32, #tpu.memory_space<vmem>>) dst(%dma_wait3A_84 : memref<2000x16xf32, #tpu.memory_space<hbm>>)
      tpu.yield
    }) : () -> ()
    "tpu.region"() ({
      %run_scoped3A = tpu.sem_alloc : memref<!tpu.dma_semaphore, #tpu.memory_space<semaphore_mem>>
      %dma_start3A_77 = tpu.memref_slice %arg4[%add3A_10] : memref<320000xi32, #tpu.memory_space<hbm>> -> memref<2000xi32, #tpu.memory_space<hbm>>
      %dma_start3A_78 = tpu.memref_slice %arg4[%add3A_10] : memref<320000xi32, #tpu.memory_space<hbm>> -> memref<2000xi32, #tpu.memory_space<hbm>>
      tpu.enqueue_dma source(%dma_start3A_78 : memref<2000xi32, #tpu.memory_space<hbm>>) target(%arg7 : memref<2000xi32, #tpu.memory_space<vmem>>) target_semaphore(%run_scoped3A : memref<!tpu.dma_semaphore, #tpu.memory_space<semaphore_mem>>)
      %dma_wait3A_79 = tpu.memref_slice %arg4[%add3A_10] : memref<320000xi32, #tpu.memory_space<hbm>> -> memref<2000xi32, #tpu.memory_space<hbm>>
      %dma_wait3A_80 = tpu.memref_slice %arg4[%add3A_10] : memref<320000xi32, #tpu.memory_space<hbm>> -> memref<2000xi32, #tpu.memory_space<hbm>>
      tpu.wait_dma2 semaphore(%run_scoped3A : memref<!tpu.dma_semaphore, #tpu.memory_space<semaphore_mem>>) src(%dma_wait3A_80 : memref<2000xi32, #tpu.memory_space<hbm>>) dst(%arg7 : memref<2000xi32, #tpu.memory_space<vmem>>)
      tpu.yield
    }) : () -> ()
    %scan3A_15 = arith.constant 0 : i32
    %scan3A_16 = arith.constant 0 : i32
    %scan3A_17 = arith.constant 125 : i32
    %scan3A_18 = arith.addi %scan3A_16, %scan3A_17 : i32
    %scan3A_19 = arith.constant 1 : i32
    scf.for %scan3A_77 = %scan3A_16 to %scan3A_18 step %scan3A_19  : i32 {
      %mul3A_78 = arith.constant 16 : i32
      %mul3A_79 = arith.muli %scan3A_77, %mul3A_78 : i32
      %get3A = arith.index_cast %mul3A_79 : i32 to index
      %get3A_80 = tpu.vector_load %arg7[%get3A] {strides = array<i32>} : memref<2000xi32, #tpu.memory_space<vmem>>, vector<16xi32>,
      tpu.vector_store_idx %arg9[%get3A_80], %broadcast_in_dim3A_8 : memref<10000xf32, #tpu.memory_space<vmem>>[vector<16xi32>], vector<16xf32>,
    }
    %scan3A_20 = arith.constant 125 : i32
    %add3A_21 = arith.constant 2000 : i32
    %add3A_22 = arith.addi %mul3A_2, %add3A_21 : i32
    "tpu.region"() ({
      %run_scoped3A = tpu.sem_alloc : memref<!tpu.dma_semaphore, #tpu.memory_space<semaphore_mem>>
      %dma_start3A_77 = tpu.memref_slice %arg3[%add3A_22] : memref<320000xi32, #tpu.memory_space<hbm>> -> memref<2000xi32, #tpu.memory_space<hbm>>
      %dma_start3A_78 = tpu.memref_slice %arg3[%add3A_22] : memref<320000xi32, #tpu.memory_space<hbm>> -> memref<2000xi32, #tpu.memory_space<hbm>>
      tpu.enqueue_dma source(%dma_start3A_78 : memref<2000xi32, #tpu.memory_space<hbm>>) target(%arg7 : memref<2000xi32, #tpu.memory_space<vmem>>) target_semaphore(%run_scoped3A : memref<!tpu.dma_semaphore, #tpu.memory_space<semaphore_mem>>)
      %dma_wait3A_79 = tpu.memref_slice %arg3[%add3A_22] : memref<320000xi32, #tpu.memory_space<hbm>> -> memref<2000xi32, #tpu.memory_space<hbm>>
      %dma_wait3A_80 = tpu.memref_slice %arg3[%add3A_22] : memref<320000xi32, #tpu.memory_space<hbm>> -> memref<2000xi32, #tpu.memory_space<hbm>>
      tpu.wait_dma2 semaphore(%run_scoped3A : memref<!tpu.dma_semaphore, #tpu.memory_space<semaphore_mem>>) src(%dma_wait3A_80 : memref<2000xi32, #tpu.memory_space<hbm>>) dst(%arg7 : memref<2000xi32, #tpu.memory_space<vmem>>)
      tpu.yield
    }) : () -> ()
    %dma_start3A_23 = arith.constant 0 : i32
    %dma_start3A_24 = arith.constant 0 : i32
    %dma_start3A_25 = tpu.memref_slice %arg2[%dma_start3A_23, %dma_start3A_24] : memref<10000x16xf32, #tpu.memory_space<hbm>> -> memref<10000x16xf32, #tpu.memory_space<hbm>>
    tpu.enqueue_indirect_dma source(%dma_start3A_25 : memref<10000x16xf32, #tpu.memory_space<hbm>>) target(%arg8 : memref<2000x16xf32, #tpu.memory_space<vmem>>) offsets(%arg7 : memref<2000xi32, #tpu.memory_space<vmem>>) semaphore(%arg10 : memref<!tpu.dma_semaphore, #tpu.memory_space<semaphore_mem>>)
    %dma_wait3A_26 = arith.constant 0 : i32
    %dma_wait3A_27 = arith.constant 0 : i32
    %dma_wait3A_28 = tpu.memref_slice %arg2[%dma_wait3A_26, %dma_wait3A_27] : memref<10000x16xf32, #tpu.memory_space<hbm>> -> memref<10000x16xf32, #tpu.memory_space<hbm>>
    tpu.wait_indirect_dma semaphore(%arg10 : memref<!tpu.dma_semaphore, #tpu.memory_space<semaphore_mem>>) src(%dma_wait3A_28 : memref<10000x16xf32, #tpu.memory_space<hbm>>) dst(%arg8 : memref<2000x16xf32, #tpu.memory_space<vmem>>)
    "tpu.region"() ({
      %run_scoped3A = tpu.sem_alloc : memref<!tpu.dma_semaphore, #tpu.memory_space<semaphore_mem>>
      %dma_start3A_77 = arith.constant 0 : i32
      %dma_start3A_78 = tpu.memref_slice %arg5[%add3A_22, %dma_start3A_77] : memref<320000x16xf32, #tpu.memory_space<hbm>> -> memref<2000x16xf32, #tpu.memory_space<hbm>>
      %dma_start3A_79 = arith.constant 0 : i32
      %dma_start3A_80 = tpu.memref_slice %arg5[%add3A_22, %dma_start3A_79] : memref<320000x16xf32, #tpu.memory_space<hbm>> -> memref<2000x16xf32, #tpu.memory_space<hbm>>
      tpu.enqueue_dma source(%arg8 : memref<2000x16xf32, #tpu.memory_space<vmem>>) target(%dma_start3A_80 : memref<2000x16xf32, #tpu.memory_space<hbm>>) target_semaphore(%run_scoped3A : memref<!tpu.dma_semaphore, #tpu.memory_space<semaphore_mem>>)
      %dma_wait3A_81 = arith.constant 0 : i32
      %dma_wait3A_82 = tpu.memref_slice %arg5[%add3A_22, %dma_wait3A_81] : memref<320000x16xf32, #tpu.memory_space<hbm>> -> memref<2000x16xf32, #tpu.memory_space<hbm>>
      %dma_wait3A_83 = arith.constant 0 : i32
      %dma_wait3A_84 = tpu.memref_slice %arg5[%add3A_22, %dma_wait3A_83] : memref<320000x16xf32, #tpu.memory_space<hbm>> -> memref<2000x16xf32, #tpu.memory_space<hbm>>
      tpu.wait_dma2 semaphore(%run_scoped3A : memref<!tpu.dma_semaphore, #tpu.memory_space<semaphore_mem>>) src(%arg8 : memref<2000x16xf32, #tpu.memory_space<vmem>>) dst(%dma_wait3A_84 : memref<2000x16xf32, #tpu.memory_space<hbm>>)
      tpu.yield
    }) : () -> ()
    "tpu.region"() ({
      %run_scoped3A = tpu.sem_alloc : memref<!tpu.dma_semaphore, #tpu.memory_space<semaphore_mem>>
      %dma_start3A_77 = tpu.memref_slice %arg4[%add3A_22] : memref<320000xi32, #tpu.memory_space<hbm>> -> memref<2000xi32, #tpu.memory_space<hbm>>
      %dma_start3A_78 = tpu.memref_slice %arg4[%add3A_22] : memref<320000xi32, #tpu.memory_space<hbm>> -> memref<2000xi32, #tpu.memory_space<hbm>>
      tpu.enqueue_dma source(%dma_start3A_78 : memref<2000xi32, #tpu.memory_space<hbm>>) target(%arg7 : memref<2000xi32, #tpu.memory_space<vmem>>) target_semaphore(%run_scoped3A : memref<!tpu.dma_semaphore, #tpu.memory_space<semaphore_mem>>)
      %dma_wait3A_79 = tpu.memref_slice %arg4[%add3A_22] : memref<320000xi32, #tpu.memory_space<hbm>> -> memref<2000xi32, #tpu.memory_space<hbm>>
      %dma_wait3A_80 = tpu.memref_slice %arg4[%add3A_22] : memref<320000xi32, #tpu.memory_space<hbm>> -> memref<2000xi32, #tpu.memory_space<hbm>>
      tpu.wait_dma2 semaphore(%run_scoped3A : memref<!tpu.dma_semaphore, #tpu.memory_space<semaphore_mem>>) src(%dma_wait3A_80 : memref<2000xi32, #tpu.memory_space<hbm>>) dst(%arg7 : memref<2000xi32, #tpu.memory_space<vmem>>)
      tpu.yield
    }) : () -> ()
    %scan3A_29 = arith.constant 0 : i32
    %scan3A_30 = arith.constant 0 : i32
    %scan3A_31 = arith.constant 125 : i32
    %scan3A_32 = arith.addi %scan3A_30, %scan3A_31 : i32
    %scan3A_33 = arith.constant 1 : i32
    scf.for %scan3A_77 = %scan3A_30 to %scan3A_32 step %scan3A_33  : i32 {
      %mul3A_78 = arith.constant 16 : i32
      %mul3A_79 = arith.muli %scan3A_77, %mul3A_78 : i32
      %get3A = arith.index_cast %mul3A_79 : i32 to index
      %get3A_80 = tpu.vector_load %arg7[%get3A] {strides = array<i32>} : memref<2000xi32, #tpu.memory_space<vmem>>, vector<16xi32>,
      tpu.vector_store_idx %arg9[%get3A_80], %broadcast_in_dim3A_8 : memref<10000xf32, #tpu.memory_space<vmem>>[vector<16xi32>], vector<16xf32>,
    }
    %scan3A_34 = arith.constant 125 : i32
    %add3A_35 = arith.constant 4000 : i32
    %add3A_36 = arith.addi %mul3A_2, %add3A_35 : i32
    "tpu.region"() ({
      %run_scoped3A = tpu.sem_alloc : memref<!tpu.dma_semaphore, #tpu.memory_space<semaphore_mem>>
      %dma_start3A_77 = tpu.memref_slice %arg3[%add3A_36] : memref<320000xi32, #tpu.memory_space<hbm>> -> memref<2000xi32, #tpu.memory_space<hbm>>
      %dma_start3A_78 = tpu.memref_slice %arg3[%add3A_36] : memref<320000xi32, #tpu.memory_space<hbm>> -> memref<2000xi32, #tpu.memory_space<hbm>>
      tpu.enqueue_dma source(%dma_start3A_78 : memref<2000xi32, #tpu.memory_space<hbm>>) target(%arg7 : memref<2000xi32, #tpu.memory_space<vmem>>) target_semaphore(%run_scoped3A : memref<!tpu.dma_semaphore, #tpu.memory_space<semaphore_mem>>)
      %dma_wait3A_79 = tpu.memref_slice %arg3[%add3A_36] : memref<320000xi32, #tpu.memory_space<hbm>> -> memref<2000xi32, #tpu.memory_space<hbm>>
      %dma_wait3A_80 = tpu.memref_slice %arg3[%add3A_36] : memref<320000xi32, #tpu.memory_space<hbm>> -> memref<2000xi32, #tpu.memory_space<hbm>>
      tpu.wait_dma2 semaphore(%run_scoped3A : memref<!tpu.dma_semaphore, #tpu.memory_space<semaphore_mem>>) src(%dma_wait3A_80 : memref<2000xi32, #tpu.memory_space<hbm>>) dst(%arg7 : memref<2000xi32, #tpu.memory_space<vmem>>)
      tpu.yield
    }) : () -> ()
    %dma_start3A_37 = arith.constant 0 : i32
    %dma_start3A_38 = arith.constant 0 : i32
    %dma_start3A_39 = tpu.memref_slice %arg2[%dma_start3A_37, %dma_start3A_38] : memref<10000x16xf32, #tpu.memory_space<hbm>> -> memref<10000x16xf32, #tpu.memory_space<hbm>>
    tpu.enqueue_indirect_dma source(%dma_start3A_39 : memref<10000x16xf32, #tpu.memory_space<hbm>>) target(%arg8 : memref<2000x16xf32, #tpu.memory_space<vmem>>) offsets(%arg7 : memref<2000xi32, #tpu.memory_space<vmem>>) semaphore(%arg10 : memref<!tpu.dma_semaphore, #tpu.memory_space<semaphore_mem>>)
    %dma_wait3A_40 = arith.constant 0 : i32
    %dma_wait3A_41 = arith.constant 0 : i32
    %dma_wait3A_42 = tpu.memref_slice %arg2[%dma_wait3A_40, %dma_wait3A_41] : memref<10000x16xf32, #tpu.memory_space<hbm>> -> memref<10000x16xf32, #tpu.memory_space<hbm>>
    tpu.wait_indirect_dma semaphore(%arg10 : memref<!tpu.dma_semaphore, #tpu.memory_space<semaphore_mem>>) src(%dma_wait3A_42 : memref<10000x16xf32, #tpu.memory_space<hbm>>) dst(%arg8 : memref<2000x16xf32, #tpu.memory_space<vmem>>)
    "tpu.region"() ({
      %run_scoped3A = tpu.sem_alloc : memref<!tpu.dma_semaphore, #tpu.memory_space<semaphore_mem>>
      %dma_start3A_77 = arith.constant 0 : i32
      %dma_start3A_78 = tpu.memref_slice %arg5[%add3A_36, %dma_start3A_77] : memref<320000x16xf32, #tpu.memory_space<hbm>> -> memref<2000x16xf32, #tpu.memory_space<hbm>>
      %dma_start3A_79 = arith.constant 0 : i32
      %dma_start3A_80 = tpu.memref_slice %arg5[%add3A_36, %dma_start3A_79] : memref<320000x16xf32, #tpu.memory_space<hbm>> -> memref<2000x16xf32, #tpu.memory_space<hbm>>
      tpu.enqueue_dma source(%arg8 : memref<2000x16xf32, #tpu.memory_space<vmem>>) target(%dma_start3A_80 : memref<2000x16xf32, #tpu.memory_space<hbm>>) target_semaphore(%run_scoped3A : memref<!tpu.dma_semaphore, #tpu.memory_space<semaphore_mem>>)
      %dma_wait3A_81 = arith.constant 0 : i32
      %dma_wait3A_82 = tpu.memref_slice %arg5[%add3A_36, %dma_wait3A_81] : memref<320000x16xf32, #tpu.memory_space<hbm>> -> memref<2000x16xf32, #tpu.memory_space<hbm>>
      %dma_wait3A_83 = arith.constant 0 : i32
      %dma_wait3A_84 = tpu.memref_slice %arg5[%add3A_36, %dma_wait3A_83] : memref<320000x16xf32, #tpu.memory_space<hbm>> -> memref<2000x16xf32, #tpu.memory_space<hbm>>
      tpu.wait_dma2 semaphore(%run_scoped3A : memref<!tpu.dma_semaphore, #tpu.memory_space<semaphore_mem>>) src(%arg8 : memref<2000x16xf32, #tpu.memory_space<vmem>>) dst(%dma_wait3A_84 : memref<2000x16xf32, #tpu.memory_space<hbm>>)
      tpu.yield
    }) : () -> ()
    "tpu.region"() ({
      %run_scoped3A = tpu.sem_alloc : memref<!tpu.dma_semaphore, #tpu.memory_space<semaphore_mem>>
      %dma_start3A_77 = tpu.memref_slice %arg4[%add3A_36] : memref<320000xi32, #tpu.memory_space<hbm>> -> memref<2000xi32, #tpu.memory_space<hbm>>
      %dma_start3A_78 = tpu.memref_slice %arg4[%add3A_36] : memref<320000xi32, #tpu.memory_space<hbm>> -> memref<2000xi32, #tpu.memory_space<hbm>>
      tpu.enqueue_dma source(%dma_start3A_78 : memref<2000xi32, #tpu.memory_space<hbm>>) target(%arg7 : memref<2000xi32, #tpu.memory_space<vmem>>) target_semaphore(%run_scoped3A : memref<!tpu.dma_semaphore, #tpu.memory_space<semaphore_mem>>)
      %dma_wait3A_79 = tpu.memref_slice %arg4[%add3A_36] : memref<320000xi32, #tpu.memory_space<hbm>> -> memref<2000xi32, #tpu.memory_space<hbm>>
      %dma_wait3A_80 = tpu.memref_slice %arg4[%add3A_36] : memref<320000xi32, #tpu.memory_space<hbm>> -> memref<2000xi32, #tpu.memory_space<hbm>>
      tpu.wait_dma2 semaphore(%run_scoped3A : memref<!tpu.dma_semaphore, #tpu.memory_space<semaphore_mem>>) src(%dma_wait3A_80 : memref<2000xi32, #tpu.memory_space<hbm>>) dst(%arg7 : memref<2000xi32, #tpu.memory_space<vmem>>)
      tpu.yield
    }) : () -> ()
    %scan3A_43 = arith.constant 0 : i32
    %scan3A_44 = arith.constant 0 : i32
    %scan3A_45 = arith.constant 125 : i32
    %scan3A_46 = arith.addi %scan3A_44, %scan3A_45 : i32
    %scan3A_47 = arith.constant 1 : i32
    scf.for %scan3A_77 = %scan3A_44 to %scan3A_46 step %scan3A_47  : i32 {
      %mul3A_78 = arith.constant 16 : i32
      %mul3A_79 = arith.muli %scan3A_77, %mul3A_78 : i32
      %get3A = arith.index_cast %mul3A_79 : i32 to index
      %get3A_80 = tpu.vector_load %arg7[%get3A] {strides = array<i32>} : memref<2000xi32, #tpu.memory_space<vmem>>, vector<16xi32>,
      tpu.vector_store_idx %arg9[%get3A_80], %broadcast_in_dim3A_8 : memref<10000xf32, #tpu.memory_space<vmem>>[vector<16xi32>], vector<16xf32>,
    }
    %scan3A_48 = arith.constant 125 : i32
    %add3A_49 = arith.constant 6000 : i32
    %add3A_50 = arith.addi %mul3A_2, %add3A_49 : i32
    "tpu.region"() ({
      %run_scoped3A = tpu.sem_alloc : memref<!tpu.dma_semaphore, #tpu.memory_space<semaphore_mem>>
      %dma_start3A_77 = tpu.memref_slice %arg3[%add3A_50] : memref<320000xi32, #tpu.memory_space<hbm>> -> memref<2000xi32, #tpu.memory_space<hbm>>
      %dma_start3A_78 = tpu.memref_slice %arg3[%add3A_50] : memref<320000xi32, #tpu.memory_space<hbm>> -> memref<2000xi32, #tpu.memory_space<hbm>>
      tpu.enqueue_dma source(%dma_start3A_78 : memref<2000xi32, #tpu.memory_space<hbm>>) target(%arg7 : memref<2000xi32, #tpu.memory_space<vmem>>) target_semaphore(%run_scoped3A : memref<!tpu.dma_semaphore, #tpu.memory_space<semaphore_mem>>)
      %dma_wait3A_79 = tpu.memref_slice %arg3[%add3A_50] : memref<320000xi32, #tpu.memory_space<hbm>> -> memref<2000xi32, #tpu.memory_space<hbm>>
      %dma_wait3A_80 = tpu.memref_slice %arg3[%add3A_50] : memref<320000xi32, #tpu.memory_space<hbm>> -> memref<2000xi32, #tpu.memory_space<hbm>>
      tpu.wait_dma2 semaphore(%run_scoped3A : memref<!tpu.dma_semaphore, #tpu.memory_space<semaphore_mem>>) src(%dma_wait3A_80 : memref<2000xi32, #tpu.memory_space<hbm>>) dst(%arg7 : memref<2000xi32, #tpu.memory_space<vmem>>)
      tpu.yield
    }) : () -> ()
    %dma_start3A_51 = arith.constant 0 : i32
    %dma_start3A_52 = arith.constant 0 : i32
    %dma_start3A_53 = tpu.memref_slice %arg2[%dma_start3A_51, %dma_start3A_52] : memref<10000x16xf32, #tpu.memory_space<hbm>> -> memref<10000x16xf32, #tpu.memory_space<hbm>>
    tpu.enqueue_indirect_dma source(%dma_start3A_53 : memref<10000x16xf32, #tpu.memory_space<hbm>>) target(%arg8 : memref<2000x16xf32, #tpu.memory_space<vmem>>) offsets(%arg7 : memref<2000xi32, #tpu.memory_space<vmem>>) semaphore(%arg10 : memref<!tpu.dma_semaphore, #tpu.memory_space<semaphore_mem>>)
    %dma_wait3A_54 = arith.constant 0 : i32
    %dma_wait3A_55 = arith.constant 0 : i32
    %dma_wait3A_56 = tpu.memref_slice %arg2[%dma_wait3A_54, %dma_wait3A_55] : memref<10000x16xf32, #tpu.memory_space<hbm>> -> memref<10000x16xf32, #tpu.memory_space<hbm>>
    tpu.wait_indirect_dma semaphore(%arg10 : memref<!tpu.dma_semaphore, #tpu.memory_space<semaphore_mem>>) src(%dma_wait3A_56 : memref<10000x16xf32, #tpu.memory_space<hbm>>) dst(%arg8 : memref<2000x16xf32, #tpu.memory_space<vmem>>)
    "tpu.region"() ({
      %run_scoped3A = tpu.sem_alloc : memref<!tpu.dma_semaphore, #tpu.memory_space<semaphore_mem>>
      %dma_start3A_77 = arith.constant 0 : i32
      %dma_start3A_78 = tpu.memref_slice %arg5[%add3A_50, %dma_start3A_77] : memref<320000x16xf32, #tpu.memory_space<hbm>> -> memref<2000x16xf32, #tpu.memory_space<hbm>>
      %dma_start3A_79 = arith.constant 0 : i32
      %dma_start3A_80 = tpu.memref_slice %arg5[%add3A_50, %dma_start3A_79] : memref<320000x16xf32, #tpu.memory_space<hbm>> -> memref<2000x16xf32, #tpu.memory_space<hbm>>
      tpu.enqueue_dma source(%arg8 : memref<2000x16xf32, #tpu.memory_space<vmem>>) target(%dma_start3A_80 : memref<2000x16xf32, #tpu.memory_space<hbm>>) target_semaphore(%run_scoped3A : memref<!tpu.dma_semaphore, #tpu.memory_space<semaphore_mem>>)
      %dma_wait3A_81 = arith.constant 0 : i32
      %dma_wait3A_82 = tpu.memref_slice %arg5[%add3A_50, %dma_wait3A_81] : memref<320000x16xf32, #tpu.memory_space<hbm>> -> memref<2000x16xf32, #tpu.memory_space<hbm>>
      %dma_wait3A_83 = arith.constant 0 : i32
      %dma_wait3A_84 = tpu.memref_slice %arg5[%add3A_50, %dma_wait3A_83] : memref<320000x16xf32, #tpu.memory_space<hbm>> -> memref<2000x16xf32, #tpu.memory_space<hbm>>
      tpu.wait_dma2 semaphore(%run_scoped3A : memref<!tpu.dma_semaphore, #tpu.memory_space<semaphore_mem>>) src(%arg8 : memref<2000x16xf32, #tpu.memory_space<vmem>>) dst(%dma_wait3A_84 : memref<2000x16xf32, #tpu.memory_space<hbm>>)
      tpu.yield
    }) : () -> ()
    "tpu.region"() ({
      %run_scoped3A = tpu.sem_alloc : memref<!tpu.dma_semaphore, #tpu.memory_space<semaphore_mem>>
      %dma_start3A_77 = tpu.memref_slice %arg4[%add3A_50] : memref<320000xi32, #tpu.memory_space<hbm>> -> memref<2000xi32, #tpu.memory_space<hbm>>
      %dma_start3A_78 = tpu.memref_slice %arg4[%add3A_50] : memref<320000xi32, #tpu.memory_space<hbm>> -> memref<2000xi32, #tpu.memory_space<hbm>>
      tpu.enqueue_dma source(%dma_start3A_78 : memref<2000xi32, #tpu.memory_space<hbm>>) target(%arg7 : memref<2000xi32, #tpu.memory_space<vmem>>) target_semaphore(%run_scoped3A : memref<!tpu.dma_semaphore, #tpu.memory_space<semaphore_mem>>)
      %dma_wait3A_79 = tpu.memref_slice %arg4[%add3A_50] : memref<320000xi32, #tpu.memory_space<hbm>> -> memref<2000xi32, #tpu.memory_space<hbm>>
      %dma_wait3A_80 = tpu.memref_slice %arg4[%add3A_50] : memref<320000xi32, #tpu.memory_space<hbm>> -> memref<2000xi32, #tpu.memory_space<hbm>>
      tpu.wait_dma2 semaphore(%run_scoped3A : memref<!tpu.dma_semaphore, #tpu.memory_space<semaphore_mem>>) src(%dma_wait3A_80 : memref<2000xi32, #tpu.memory_space<hbm>>) dst(%arg7 : memref<2000xi32, #tpu.memory_space<vmem>>)
      tpu.yield
    }) : () -> ()
    %scan3A_57 = arith.constant 0 : i32
    %scan3A_58 = arith.constant 0 : i32
    %scan3A_59 = arith.constant 125 : i32
    %scan3A_60 = arith.addi %scan3A_58, %scan3A_59 : i32
    %scan3A_61 = arith.constant 1 : i32
    scf.for %scan3A_77 = %scan3A_58 to %scan3A_60 step %scan3A_61  : i32 {
      %mul3A_78 = arith.constant 16 : i32
      %mul3A_79 = arith.muli %scan3A_77, %mul3A_78 : i32
      %get3A = arith.index_cast %mul3A_79 : i32 to index
      %get3A_80 = tpu.vector_load %arg7[%get3A] {strides = array<i32>} : memref<2000xi32, #tpu.memory_space<vmem>>, vector<16xi32>,
      tpu.vector_store_idx %arg9[%get3A_80], %broadcast_in_dim3A_8 : memref<10000xf32, #tpu.memory_space<vmem>>[vector<16xi32>], vector<16xf32>,
    }
    %scan3A_62 = arith.constant 125 : i32
    %add3A_63 = arith.constant 8000 : i32
    %add3A_64 = arith.addi %mul3A_2, %add3A_63 : i32
    "tpu.region"() ({
      %run_scoped3A = tpu.sem_alloc : memref<!tpu.dma_semaphore, #tpu.memory_space<semaphore_mem>>
      %dma_start3A_77 = tpu.memref_slice %arg3[%add3A_64] : memref<320000xi32, #tpu.memory_space<hbm>> -> memref<2000xi32, #tpu.memory_space<hbm>>
      %dma_start3A_78 = tpu.memref_slice %arg3[%add3A_64] : memref<320000xi32, #tpu.memory_space<hbm>> -> memref<2000xi32, #tpu.memory_space<hbm>>
      tpu.enqueue_dma source(%dma_start3A_78 : memref<2000xi32, #tpu.memory_space<hbm>>) target(%arg7 : memref<2000xi32, #tpu.memory_space<vmem>>) target_semaphore(%run_scoped3A : memref<!tpu.dma_semaphore, #tpu.memory_space<semaphore_mem>>)
      %dma_wait3A_79 = tpu.memref_slice %arg3[%add3A_64] : memref<320000xi32, #tpu.memory_space<hbm>> -> memref<2000xi32, #tpu.memory_space<hbm>>
      %dma_wait3A_80 = tpu.memref_slice %arg3[%add3A_64] : memref<320000xi32, #tpu.memory_space<hbm>> -> memref<2000xi32, #tpu.memory_space<hbm>>
      tpu.wait_dma2 semaphore(%run_scoped3A : memref<!tpu.dma_semaphore, #tpu.memory_space<semaphore_mem>>) src(%dma_wait3A_80 : memref<2000xi32, #tpu.memory_space<hbm>>) dst(%arg7 : memref<2000xi32, #tpu.memory_space<vmem>>)
      tpu.yield
    }) : () -> ()
    %dma_start3A_65 = arith.constant 0 : i32
    %dma_start3A_66 = arith.constant 0 : i32
    %dma_start3A_67 = tpu.memref_slice %arg2[%dma_start3A_65, %dma_start3A_66] : memref<10000x16xf32, #tpu.memory_space<hbm>> -> memref<10000x16xf32, #tpu.memory_space<hbm>>
    tpu.enqueue_indirect_dma source(%dma_start3A_67 : memref<10000x16xf32, #tpu.memory_space<hbm>>) target(%arg8 : memref<2000x16xf32, #tpu.memory_space<vmem>>) offsets(%arg7 : memref<2000xi32, #tpu.memory_space<vmem>>) semaphore(%arg10 : memref<!tpu.dma_semaphore, #tpu.memory_space<semaphore_mem>>)
    %dma_wait3A_68 = arith.constant 0 : i32
    %dma_wait3A_69 = arith.constant 0 : i32
    %dma_wait3A_70 = tpu.memref_slice %arg2[%dma_wait3A_68, %dma_wait3A_69] : memref<10000x16xf32, #tpu.memory_space<hbm>> -> memref<10000x16xf32, #tpu.memory_space<hbm>>
    tpu.wait_indirect_dma semaphore(%arg10 : memref<!tpu.dma_semaphore, #tpu.memory_space<semaphore_mem>>) src(%dma_wait3A_70 : memref<10000x16xf32, #tpu.memory_space<hbm>>) dst(%arg8 : memref<2000x16xf32, #tpu.memory_space<vmem>>)
    "tpu.region"() ({
      %run_scoped3A = tpu.sem_alloc : memref<!tpu.dma_semaphore, #tpu.memory_space<semaphore_mem>>
      %dma_start3A_77 = arith.constant 0 : i32
      %dma_start3A_78 = tpu.memref_slice %arg5[%add3A_64, %dma_start3A_77] : memref<320000x16xf32, #tpu.memory_space<hbm>> -> memref<2000x16xf32, #tpu.memory_space<hbm>>
      %dma_start3A_79 = arith.constant 0 : i32
      %dma_start3A_80 = tpu.memref_slice %arg5[%add3A_64, %dma_start3A_79] : memref<320000x16xf32, #tpu.memory_space<hbm>> -> memref<2000x16xf32, #tpu.memory_space<hbm>>
      tpu.enqueue_dma source(%arg8 : memref<2000x16xf32, #tpu.memory_space<vmem>>) target(%dma_start3A_80 : memref<2000x16xf32, #tpu.memory_space<hbm>>) target_semaphore(%run_scoped3A : memref<!tpu.dma_semaphore, #tpu.memory_space<semaphore_mem>>)
      %dma_wait3A_81 = arith.constant 0 : i32
      %dma_wait3A_82 = tpu.memref_slice %arg5[%add3A_64, %dma_wait3A_81] : memref<320000x16xf32, #tpu.memory_space<hbm>> -> memref<2000x16xf32, #tpu.memory_space<hbm>>
      %dma_wait3A_83 = arith.constant 0 : i32
      %dma_wait3A_84 = tpu.memref_slice %arg5[%add3A_64, %dma_wait3A_83] : memref<320000x16xf32, #tpu.memory_space<hbm>> -> memref<2000x16xf32, #tpu.memory_space<hbm>>
      tpu.wait_dma2 semaphore(%run_scoped3A : memref<!tpu.dma_semaphore, #tpu.memory_space<semaphore_mem>>) src(%arg8 : memref<2000x16xf32, #tpu.memory_space<vmem>>) dst(%dma_wait3A_84 : memref<2000x16xf32, #tpu.memory_space<hbm>>)
      tpu.yield
    }) : () -> ()
    "tpu.region"() ({
      %run_scoped3A = tpu.sem_alloc : memref<!tpu.dma_semaphore, #tpu.memory_space<semaphore_mem>>
      %dma_start3A_77 = tpu.memref_slice %arg4[%add3A_64] : memref<320000xi32, #tpu.memory_space<hbm>> -> memref<2000xi32, #tpu.memory_space<hbm>>
      %dma_start3A_78 = tpu.memref_slice %arg4[%add3A_64] : memref<320000xi32, #tpu.memory_space<hbm>> -> memref<2000xi32, #tpu.memory_space<hbm>>
      tpu.enqueue_dma source(%dma_start3A_78 : memref<2000xi32, #tpu.memory_space<hbm>>) target(%arg7 : memref<2000xi32, #tpu.memory_space<vmem>>) target_semaphore(%run_scoped3A : memref<!tpu.dma_semaphore, #tpu.memory_space<semaphore_mem>>)
      %dma_wait3A_79 = tpu.memref_slice %arg4[%add3A_64] : memref<320000xi32, #tpu.memory_space<hbm>> -> memref<2000xi32, #tpu.memory_space<hbm>>
      %dma_wait3A_80 = tpu.memref_slice %arg4[%add3A_64] : memref<320000xi32, #tpu.memory_space<hbm>> -> memref<2000xi32, #tpu.memory_space<hbm>>
      tpu.wait_dma2 semaphore(%run_scoped3A : memref<!tpu.dma_semaphore, #tpu.memory_space<semaphore_mem>>) src(%dma_wait3A_80 : memref<2000xi32, #tpu.memory_space<hbm>>) dst(%arg7 : memref<2000xi32, #tpu.memory_space<vmem>>)
      tpu.yield
    }) : () -> ()
    %scan3A_71 = arith.constant 0 : i32
    %scan3A_72 = arith.constant 0 : i32
    %scan3A_73 = arith.constant 125 : i32
    %scan3A_74 = arith.addi %scan3A_72, %scan3A_73 : i32
    %scan3A_75 = arith.constant 1 : i32
    scf.for %scan3A_77 = %scan3A_72 to %scan3A_74 step %scan3A_75  : i32 {
      %mul3A_78 = arith.constant 16 : i32
      %mul3A_79 = arith.muli %scan3A_77, %mul3A_78 : i32
      %get3A = arith.index_cast %mul3A_79 : i32 to index
      %get3A_80 = tpu.vector_load %arg7[%get3A] {strides = array<i32>} : memref<2000xi32, #tpu.memory_space<vmem>>, vector<16xi32>,
      tpu.vector_store_idx %arg9[%get3A_80], %broadcast_in_dim3A_8 : memref<10000xf32, #tpu.memory_space<vmem>>[vector<16xi32>], vector<16xf32>,
    }
    %scan3A_76 = arith.constant 125 : i32
    "tpu.region"() ({
      %run_scoped3A = tpu.sem_alloc : memref<!tpu.dma_semaphore, #tpu.memory_space<semaphore_mem>>
      %dma_start3A_77 = arith.constant 0 : i32
      %dma_start3A_78 = tpu.memref_slice %arg6[%add3A, %dma_start3A_77] : memref<32x10000xf32, #tpu.memory_space<hbm>> -> memref<1x10000xf32, #tpu.memory_space<hbm>>
      %dma_start3A_79 = tpu.memref_squeeze %dma_start3A_78 : memref<1x10000xf32, #tpu.memory_space<hbm>> -> memref<10000xf32, #tpu.memory_space<hbm>>
      %dma_start3A_80 = arith.constant 0 : i32
      %dma_start3A_81 = tpu.memref_slice %arg6[%add3A, %dma_start3A_80] : memref<32x10000xf32, #tpu.memory_space<hbm>> -> memref<1x10000xf32, #tpu.memory_space<hbm>>
      %dma_start3A_82 = tpu.memref_squeeze %dma_start3A_81 : memref<1x10000xf32, #tpu.memory_space<hbm>> -> memref<10000xf32, #tpu.memory_space<hbm>>
      tpu.enqueue_dma source(%arg9 : memref<10000xf32, #tpu.memory_space<vmem>>) target(%dma_start3A_82 : memref<10000xf32, #tpu.memory_space<hbm>>) target_semaphore(%run_scoped3A : memref<!tpu.dma_semaphore, #tpu.memory_space<semaphore_mem>>)
      %dma_wait3A_83 = arith.constant 0 : i32
      %dma_wait3A_84 = tpu.memref_slice %arg6[%add3A, %dma_wait3A_83] : memref<32x10000xf32, #tpu.memory_space<hbm>> -> memref<1x10000xf32, #tpu.memory_space<hbm>>
      %dma_wait3A_85 = tpu.memref_squeeze %dma_wait3A_84 : memref<1x10000xf32, #tpu.memory_space<hbm>> -> memref<10000xf32, #tpu.memory_space<hbm>>
      %dma_wait3A_86 = arith.constant 0 : i32
      %dma_wait3A_87 = tpu.memref_slice %arg6[%add3A, %dma_wait3A_86] : memref<32x10000xf32, #tpu.memory_space<hbm>> -> memref<1x10000xf32, #tpu.memory_space<hbm>>
      %dma_wait3A_88 = tpu.memref_squeeze %dma_wait3A_87 : memref<1x10000xf32, #tpu.memory_space<hbm>> -> memref<10000xf32, #tpu.memory_space<hbm>>
      tpu.wait_dma2 semaphore(%run_scoped3A : memref<!tpu.dma_semaphore, #tpu.memory_space<semaphore_mem>>) src(%arg9 : memref<10000xf32, #tpu.memory_space<vmem>>) dst(%dma_wait3A_88 : memref<10000xf32, #tpu.memory_space<hbm>>)
      tpu.yield
    }) : () -> ()
    return
  }
}

module attributes {stable_mosaic.version = 14 : i64} {
  func.func @_tc1_body(%arg0: i32, %arg1: memref<400x128xf32, #tpu.memory_space<vmem>>, %arg2: memref<128x16xf32, #tpu.memory_space<vmem>>, %arg3: memref<128x128xf32, #tpu.memory_space<vmem>>, %arg4: memref<1x128xf32, #tpu.memory_space<vmem>>, %arg5: memref<400x16xf32, #tpu.memory_space<vmem>>, %arg6: memref<400x128xf32, #tpu.memory_space<vmem>>) attributes {dimension_semantics = [#tpu.dimension_semantics<arbitrary>], iteration_bounds = array<i64: 25>, scalar_prefetch = 0 : i64, scratch_operands = 0 : i64, tpu.core_type = #tpu.core_type<tc>, window_params = [{transform_indices = @transform_0, window_bounds = array<i64: 400, 128>}, {pipeline_mode = #tpu.pipeline_mode<synchronous>, transform_indices = @transform_1, window_bounds = array<i64: 128, 16>}, {pipeline_mode = #tpu.pipeline_mode<synchronous>, transform_indices = @transform_2, window_bounds = array<i64: 128, 128>}, {pipeline_mode = #tpu.pipeline_mode<synchronous>, transform_indices = @transform_3, window_bounds = array<i64: 1, 128>}, {transform_indices = @transform_4, window_bounds = array<i64: 400, 16>}, {transform_indices = @transform_5, window_bounds = array<i64: 400, 128>}]} {
    %get3A = arith.constant 0 : index
    %get3A_0 = arith.constant 0 : index
    %get3A_1 = vector.load %arg1[%get3A, %get3A_0] : memref<400x128xf32, #tpu.memory_space<vmem>>, vector<400x128xf32>
    %get3A_2 = arith.constant 0 : index
    %get3A_3 = arith.constant 0 : index
    %get3A_4 = vector.load %arg2[%get3A_2, %get3A_3] : memref<128x16xf32, #tpu.memory_space<vmem>>, vector<128x16xf32>
    %dot_general3A = arith.constant dense<0.000000e+00> : vector<400x16xf32>
    %dot_general3A_5 = tpu.matmul %get3A_1, %get3A_4, %dot_general3A {dimension_numbers = #tpu.dot_dimension_numbers<[1], [0], [0], [1], [0, 0, 1, 1], [], []>, precision = #tpu.contract_precision<fp32>, transpose_lhs_hint = false} : vector<400x128xf32>, vector<128x16xf32>, vector<400x16xf32> -> vector<400x16xf32>
    %swap3A = arith.constant 0 : index
    %swap3A_6 = arith.constant 0 : index
    %swap3A_7 = vector.load %arg5[%swap3A, %swap3A_6] : memref<400x16xf32, #tpu.memory_space<vmem>>, vector<400x16xf32>
    tpu.vector_store %arg5[%swap3A, %swap3A_6], %dot_general3A_5 {strides = array<i32>} : memref<400x16xf32, #tpu.memory_space<vmem>>, vector<400x16xf32>,
    %get3A_8 = arith.constant 0 : index
    %get3A_9 = arith.constant 0 : index
    %get3A_10 = vector.load %arg3[%get3A_8, %get3A_9] : memref<128x128xf32, #tpu.memory_space<vmem>>, vector<128x128xf32>
    %dot_general3A_11 = arith.constant dense<0.000000e+00> : vector<400x128xf32>
    %dot_general3A_12 = tpu.matmul %get3A_1, %get3A_10, %dot_general3A_11 {dimension_numbers = #tpu.dot_dimension_numbers<[1], [0], [0], [1], [0, 0, 1, 1], [], []>, precision = #tpu.contract_precision<fp32>, transpose_lhs_hint = false} : vector<400x128xf32>, vector<128x128xf32>, vector<400x128xf32> -> vector<400x128xf32>
    %get3A_13 = arith.constant 0 : index
    %get3A_14 = arith.constant 0 : index
    %get3A_15 = vector.load %arg4[%get3A_13, %get3A_14] : memref<1x128xf32, #tpu.memory_space<vmem>>, vector<1x128xf32>
    %add3A = vector.broadcast %get3A_15 : vector<1x128xf32> to vector<400x128xf32>
    %add3A_16 = arith.addf %dot_general3A_12, %add3A : vector<400x128xf32>
    %swap3A_17 = arith.constant 0 : index
    %swap3A_18 = arith.constant 0 : index
    %swap3A_19 = vector.load %arg6[%swap3A_17, %swap3A_18] : memref<400x128xf32, #tpu.memory_space<vmem>>, vector<400x128xf32>
    tpu.vector_store %arg6[%swap3A_17, %swap3A_18], %add3A_16 {strides = array<i32>} : memref<400x128xf32, #tpu.memory_space<vmem>>, vector<400x128xf32>,
    return
  }
  func.func @transform_0(%arg0: i32) -> (i32, i32) {
    %c0_i32 = arith.constant 0 : i32
    %c0_i32_0 = arith.constant 0 : i32
    return %arg0, %c0_i32 : i32, i32
  }
  func.func @transform_1(%arg0: i32) -> (i32, i32) {
    %c0_i32 = arith.constant 0 : i32
    %c0_i32_0 = arith.constant 0 : i32
    %c0_i32_1 = arith.constant 0 : i32
    return %c0_i32, %c0_i32_0 : i32, i32
  }
  func.func @transform_2(%arg0: i32) -> (i32, i32) {
    %c0_i32 = arith.constant 0 : i32
    %c0_i32_0 = arith.constant 0 : i32
    %c0_i32_1 = arith.constant 0 : i32
    return %c0_i32, %c0_i32_0 : i32, i32
  }
  func.func @transform_3(%arg0: i32) -> (i32, i32) {
    %c0_i32 = arith.constant 0 : i32
    %c0_i32_0 = arith.constant 0 : i32
    %c0_i32_1 = arith.constant 0 : i32
    return %c0_i32, %c0_i32_0 : i32, i32
  }
  func.func @transform_4(%arg0: i32) -> (i32, i32) {
    %c0_i32 = arith.constant 0 : i32
    %c0_i32_0 = arith.constant 0 : i32
    return %arg0, %c0_i32 : i32, i32
  }
  func.func @transform_5(%arg0: i32) -> (i32, i32) {
    %c0_i32 = arith.constant 0 : i32
    %c0_i32_0 = arith.constant 0 : i32
    return %arg0, %c0_i32 : i32, i32
  }
}

module attributes {stable_mosaic.version = 14 : i64} {
  func.func @_tc2_body(%arg0: i32, %arg1: memref<2000x16xf32, #tpu.memory_space<vmem>>, %arg2: memref<2000x16xf32, #tpu.memory_space<vmem>>, %arg3: memref<16x16xf32, #tpu.memory_space<vmem>>, %arg4: memref<1x16xf32, #tpu.memory_space<vmem>>, %arg5: memref<2000x16xf32, #tpu.memory_space<vmem>>) attributes {dimension_semantics = [#tpu.dimension_semantics<arbitrary>], iteration_bounds = array<i64: 160>, scalar_prefetch = 0 : i64, scratch_operands = 0 : i64, tpu.core_type = #tpu.core_type<tc>, window_params = [{transform_indices = @transform_0, window_bounds = array<i64: 2000, 16>}, {transform_indices = @transform_1, window_bounds = array<i64: 2000, 16>}, {pipeline_mode = #tpu.pipeline_mode<synchronous>, transform_indices = @transform_2, window_bounds = array<i64: 16, 16>}, {pipeline_mode = #tpu.pipeline_mode<synchronous>, transform_indices = @transform_3, window_bounds = array<i64: 1, 16>}, {transform_indices = @transform_4, window_bounds = array<i64: 2000, 16>}]} {
    %get3A = arith.constant 0 : index
    %get3A_0 = arith.constant 0 : index
    %get3A_1 = vector.load %arg2[%get3A, %get3A_0] : memref<2000x16xf32, #tpu.memory_space<vmem>>, vector<2000x16xf32>
    %get3A_2 = arith.constant 0 : index
    %get3A_3 = arith.constant 0 : index
    %get3A_4 = vector.load %arg3[%get3A_2, %get3A_3] : memref<16x16xf32, #tpu.memory_space<vmem>>, vector<16x16xf32>
    %dot_general3A = arith.constant dense<0.000000e+00> : vector<2000x16xf32>
    %dot_general3A_5 = tpu.matmul %get3A_1, %get3A_4, %dot_general3A {dimension_numbers = #tpu.dot_dimension_numbers<[1], [0], [0], [1], [0, 0, 1, 1], [], []>, precision = #tpu.contract_precision<fp32>, transpose_lhs_hint = false} : vector<2000x16xf32>, vector<16x16xf32>, vector<2000x16xf32> -> vector<2000x16xf32>
    %get3A_6 = arith.constant 0 : index
    %get3A_7 = arith.constant 0 : index
    %get3A_8 = vector.load %arg1[%get3A_6, %get3A_7] : memref<2000x16xf32, #tpu.memory_space<vmem>>, vector<2000x16xf32>
    %add3A = arith.addf %get3A_8, %dot_general3A_5 : vector<2000x16xf32>
    %get3A_9 = arith.constant 0 : index
    %get3A_10 = arith.constant 0 : index
    %get3A_11 = vector.load %arg4[%get3A_9, %get3A_10] : memref<1x16xf32, #tpu.memory_space<vmem>>, vector<1x16xf32>
    %add3A_12 = vector.broadcast %get3A_11 : vector<1x16xf32> to vector<2000x16xf32>
    %add3A_13 = arith.addf %add3A, %add3A_12 : vector<2000x16xf32>
    %max3A = arith.constant 0.000000e+00 : f32
    %max3A_14 = vector.broadcast %max3A : f32 to vector<2000x16xf32>
    %max3A_15 = arith.maximumf %add3A_13, %max3A_14 : vector<2000x16xf32>
    %swap3A = arith.constant 0 : index
    %swap3A_16 = arith.constant 0 : index
    %swap3A_17 = vector.load %arg5[%swap3A, %swap3A_16] : memref<2000x16xf32, #tpu.memory_space<vmem>>, vector<2000x16xf32>
    tpu.vector_store %arg5[%swap3A, %swap3A_16], %max3A_15 {strides = array<i32>} : memref<2000x16xf32, #tpu.memory_space<vmem>>, vector<2000x16xf32>,
    return
  }
  func.func @transform_0(%arg0: i32) -> (i32, i32) {
    %c0_i32 = arith.constant 0 : i32
    %c0_i32_0 = arith.constant 0 : i32
    return %arg0, %c0_i32 : i32, i32
  }
  func.func @transform_1(%arg0: i32) -> (i32, i32) {
    %c0_i32 = arith.constant 0 : i32
    %c0_i32_0 = arith.constant 0 : i32
    return %arg0, %c0_i32 : i32, i32
  }
  func.func @transform_2(%arg0: i32) -> (i32, i32) {
    %c0_i32 = arith.constant 0 : i32
    %c0_i32_0 = arith.constant 0 : i32
    %c0_i32_1 = arith.constant 0 : i32
    return %c0_i32, %c0_i32_0 : i32, i32
  }
  func.func @transform_3(%arg0: i32) -> (i32, i32) {
    %c0_i32 = arith.constant 0 : i32
    %c0_i32_0 = arith.constant 0 : i32
    %c0_i32_1 = arith.constant 0 : i32
    return %c0_i32, %c0_i32_0 : i32, i32
  }
  func.func @transform_4(%arg0: i32) -> (i32, i32) {
    %c0_i32 = arith.constant 0 : i32
    %c0_i32_0 = arith.constant 0 : i32
    return %arg0, %c0_i32 : i32, i32
  }
}

module attributes {stable_mosaic.version = 14 : i64} {
  func.func @_tc3_body(%arg0: i32, %arg1: memref<400x128xf32, #tpu.memory_space<vmem>>, %arg2: memref<400x32xf32, #tpu.memory_space<vmem>>, %arg3: memref<400x1xi32, #tpu.memory_space<vmem>>, %arg4: memref<16x128xf32, #tpu.memory_space<vmem>>, %arg5: memref<128x128xf32, #tpu.memory_space<vmem>>, %arg6: memref<1x128xf32, #tpu.memory_space<vmem>>, %arg7: memref<128x128xf32, #tpu.memory_space<vmem>>, %arg8: memref<128x128xf32, #tpu.memory_space<vmem>>, %arg9: memref<1x128xf32, #tpu.memory_space<vmem>>, %arg10: memref<400x128xf32, #tpu.memory_space<vmem>>, %arg11: memref<16x128xf32, #tpu.memory_space<vmem>>, %arg12: memref<16x128xf32, #tpu.memory_space<vmem>>, %arg13: memref<16x128xf32, #tpu.memory_space<vmem>>) attributes {dimension_semantics = [#tpu.dimension_semantics<arbitrary>], iteration_bounds = array<i64: 25>, scalar_prefetch = 0 : i64, scratch_operands = 2 : i64, tpu.core_type = #tpu.core_type<tc>, window_params = [{transform_indices = @transform_0, window_bounds = array<i64: 400, 128>}, {transform_indices = @transform_1, window_bounds = array<i64: 400, 32>}, {transform_indices = @transform_2, window_bounds = array<i64: 400, 1>}, {pipeline_mode = #tpu.pipeline_mode<synchronous>, transform_indices = @transform_3, window_bounds = array<i64: 16, 128>}, {pipeline_mode = #tpu.pipeline_mode<synchronous>, transform_indices = @transform_4, window_bounds = array<i64: 128, 128>}, {pipeline_mode = #tpu.pipeline_mode<synchronous>, transform_indices = @transform_5, window_bounds = array<i64: 1, 128>}, {pipeline_mode = #tpu.pipeline_mode<synchronous>, transform_indices = @transform_6, window_bounds = array<i64: 128, 128>}, {pipeline_mode = #tpu.pipeline_mode<synchronous>, transform_indices = @transform_7, window_bounds = array<i64: 128, 128>}, {pipeline_mode = #tpu.pipeline_mode<synchronous>, transform_indices = @transform_8, window_bounds = array<i64: 1, 128>}, {transform_indices = @transform_9, window_bounds = array<i64: 400, 128>}, {pipeline_mode = #tpu.pipeline_mode<synchronous>, transform_indices = @transform_10, window_bounds = array<i64: 16, 128>}]} {
    %eq3A = arith.constant 0 : i32
    %eq3A_0 = arith.cmpi eq, %arg0, %eq3A : i32
    %convert_element_type3A = arith.extui %eq3A_0 : i1 to i32
    %cond3A = arith.constant 0 : i32
    %cond3A_1 = arith.cmpi ne, %convert_element_type3A, %cond3A : i32
    scf.if %cond3A_1 {
      %broadcast_in_dim3A_63 = arith.constant 0.000000e+00 : f32
      %broadcast_in_dim3A_64 = vector.broadcast %broadcast_in_dim3A_63 : f32 to vector<16x128xf32>
      %swap3A_65 = arith.constant 0 : index
      %swap3A_66 = arith.constant 0 : index
      %swap3A_67 = vector.load %arg12[%swap3A_65, %swap3A_66] : memref<16x128xf32, #tpu.memory_space<vmem>>, vector<16x128xf32>
      tpu.vector_store %arg12[%swap3A_65, %swap3A_66], %broadcast_in_dim3A_64 {strides = array<i32>} : memref<16x128xf32, #tpu.memory_space<vmem>>, vector<16x128xf32>,
      %broadcast_in_dim3A_68 = arith.constant 0.000000e+00 : f32
      %broadcast_in_dim3A_69 = vector.broadcast %broadcast_in_dim3A_68 : f32 to vector<16x128xf32>
      %swap3A_70 = arith.constant 0 : index
      %swap3A_71 = arith.constant 0 : index
      %swap3A_72 = vector.load %arg13[%swap3A_70, %swap3A_71] : memref<16x128xf32, #tpu.memory_space<vmem>>, vector<16x128xf32>
      tpu.vector_store %arg13[%swap3A_70, %swap3A_71], %broadcast_in_dim3A_69 {strides = array<i32>} : memref<16x128xf32, #tpu.memory_space<vmem>>, vector<16x128xf32>,
    } else {
    }
    %get3A = arith.constant 0 : index
    %get3A_2 = arith.constant 0 : index
    %get3A_3 = vector.load %arg2[%get3A, %get3A_2] : memref<400x32xf32, #tpu.memory_space<vmem>>, vector<400x32xf32>
    %reduce_sum3A = arith.constant dense<0.000000e+00> : vector<400xf32>
    %reduce_sum3A_4 = vector.multi_reduction <add>, %get3A_3, %reduce_sum3A [1] : vector<400x32xf32> to vector<400xf32>
    %broadcast_in_dim3A = vector.shape_cast %reduce_sum3A_4 : vector<400xf32> to vector<400x1xf32>
    %gt3A = arith.constant 0.000000e+00 : f32
    %gt3A_5 = vector.broadcast %gt3A : f32 to vector<400x1xf32>
    %gt3A_6 = arith.cmpf ogt, %broadcast_in_dim3A, %gt3A_5 : vector<400x1xf32>
    %convert_element_type3A_7 = arith.extui %gt3A_6 : vector<400x1xi1> to vector<400x1xi32>
    %convert_element_type3A_8 = arith.sitofp %convert_element_type3A_7 : vector<400x1xi32> to vector<400x1xf32>
    %get3A_9 = arith.constant 0 : index
    %get3A_10 = arith.constant 0 : index
    %get3A_11 = vector.load %arg3[%get3A_9, %get3A_10] : memref<400x1xi32, #tpu.memory_space<vmem>>, vector<400x1xi32>
    %iota3A = tpu.iota {dimensions = array<i32: 1>} : vector<400x16xi32>
    %eq3A_12 = vector.broadcast %get3A_11 : vector<400x1xi32> to vector<400x16xi32>
    %eq3A_13 = arith.cmpi eq, %eq3A_12, %iota3A : vector<400x16xi32>
    %convert_element_type3A_14 = arith.extui %eq3A_13 : vector<400x16xi1> to vector<400x16xi32>
    %convert_element_type3A_15 = arith.sitofp %convert_element_type3A_14 : vector<400x16xi32> to vector<400x16xf32>
    %get3A_16 = arith.constant 0 : index
    %get3A_17 = arith.constant 0 : index
    %get3A_18 = vector.load %arg4[%get3A_16, %get3A_17] : memref<16x128xf32, #tpu.memory_space<vmem>>, vector<16x128xf32>
    %get3A_19 = arith.constant 0 : index
    %get3A_20 = arith.constant 0 : index
    %get3A_21 = vector.load %arg5[%get3A_19, %get3A_20] : memref<128x128xf32, #tpu.memory_space<vmem>>, vector<128x128xf32>
    %dot_general3A = arith.constant dense<0.000000e+00> : vector<16x128xf32>
    %dot_general3A_22 = tpu.matmul %get3A_18, %get3A_21, %dot_general3A {dimension_numbers = #tpu.dot_dimension_numbers<[1], [0], [0], [1], [0, 0, 1, 1], [], []>, precision = #tpu.contract_precision<fp32>, transpose_lhs_hint = false} : vector<16x128xf32>, vector<128x128xf32>, vector<16x128xf32> -> vector<16x128xf32>
    %get3A_23 = arith.constant 0 : index
    %get3A_24 = arith.constant 0 : index
    %get3A_25 = vector.load %arg1[%get3A_23, %get3A_24] : memref<400x128xf32, #tpu.memory_space<vmem>>, vector<400x128xf32>
    %mul3A = vector.broadcast %convert_element_type3A_8 : vector<400x1xf32> to vector<400x128xf32>
    %mul3A_26 = arith.mulf %get3A_25, %mul3A : vector<400x128xf32>
    %dot_general3A_27 = arith.constant dense<0.000000e+00> : vector<400x128xf32>
    %dot_general3A_28 = tpu.matmul %convert_element_type3A_15, %dot_general3A_22, %dot_general3A_27 {dimension_numbers = #tpu.dot_dimension_numbers<[1], [0], [0], [1], [0, 0, 1, 1], [], []>, precision = #tpu.contract_precision<fp32>, transpose_lhs_hint = false} : vector<400x16xf32>, vector<16x128xf32>, vector<400x128xf32> -> vector<400x128xf32>
    %add3A = arith.addf %mul3A_26, %dot_general3A_28 : vector<400x128xf32>
    %get3A_29 = arith.constant 0 : index
    %get3A_30 = arith.constant 0 : index
    %get3A_31 = vector.load %arg6[%get3A_29, %get3A_30] : memref<1x128xf32, #tpu.memory_space<vmem>>, vector<1x128xf32>
    %add3A_32 = vector.broadcast %get3A_31 : vector<1x128xf32> to vector<400x128xf32>
    %add3A_33 = arith.addf %add3A, %add3A_32 : vector<400x128xf32>
    %max3A = arith.constant 0.000000e+00 : f32
    %max3A_34 = vector.broadcast %max3A : f32 to vector<400x128xf32>
    %max3A_35 = arith.maximumf %add3A_33, %max3A_34 : vector<400x128xf32>
    %swap3A = arith.constant 0 : index
    %swap3A_36 = arith.constant 0 : index
    %swap3A_37 = vector.load %arg10[%swap3A, %swap3A_36] : memref<400x128xf32, #tpu.memory_space<vmem>>, vector<400x128xf32>
    tpu.vector_store %arg10[%swap3A, %swap3A_36], %max3A_35 {strides = array<i32>} : memref<400x128xf32, #tpu.memory_space<vmem>>, vector<400x128xf32>,
    %get3A_38 = arith.constant 0 : index
    %get3A_39 = arith.constant 0 : index
    %get3A_40 = vector.load %arg12[%get3A_38, %get3A_39] : memref<16x128xf32, #tpu.memory_space<vmem>>, vector<16x128xf32>
    %dot_general3A_41 = arith.constant dense<0.000000e+00> : vector<16x128xf32>
    %dot_general3A_42 = tpu.matmul %convert_element_type3A_15, %max3A_35, %dot_general3A_41 {dimension_numbers = #tpu.dot_dimension_numbers<[0], [0], [1], [1], [0, 1, 1, 1], [], []>, precision = #tpu.contract_precision<fp32>, transpose_lhs_hint = false} : vector<400x16xf32>, vector<400x128xf32>, vector<16x128xf32> -> vector<16x128xf32>
    %add3A_43 = arith.addf %get3A_40, %dot_general3A_42 : vector<16x128xf32>
    %swap3A_44 = arith.constant 0 : index
    %swap3A_45 = arith.constant 0 : index
    %swap3A_46 = vector.load %arg12[%swap3A_44, %swap3A_45] : memref<16x128xf32, #tpu.memory_space<vmem>>, vector<16x128xf32>
    tpu.vector_store %arg12[%swap3A_44, %swap3A_45], %add3A_43 {strides = array<i32>} : memref<16x128xf32, #tpu.memory_space<vmem>>, vector<16x128xf32>,
    %get3A_47 = arith.constant 0 : index
    %get3A_48 = arith.constant 0 : index
    %get3A_49 = vector.load %arg13[%get3A_47, %get3A_48] : memref<16x128xf32, #tpu.memory_space<vmem>>, vector<16x128xf32>
    %broadcast_in_dim3A_50 = arith.constant 1.000000e+00 : f32
    %broadcast_in_dim3A_51 = vector.broadcast %broadcast_in_dim3A_50 : f32 to vector<400x128xf32>
    %dot_general3A_52 = arith.constant dense<0.000000e+00> : vector<16x128xf32>
    %dot_general3A_53 = tpu.matmul %convert_element_type3A_15, %broadcast_in_dim3A_51, %dot_general3A_52 {dimension_numbers = #tpu.dot_dimension_numbers<[0], [0], [1], [1], [0, 1, 1, 1], [], []>, precision = #tpu.contract_precision<fp32>, transpose_lhs_hint = false} : vector<400x16xf32>, vector<400x128xf32>, vector<16x128xf32> -> vector<16x128xf32>
    %add3A_54 = arith.addf %get3A_49, %dot_general3A_53 : vector<16x128xf32>
    %swap3A_55 = arith.constant 0 : index
    %swap3A_56 = arith.constant 0 : index
    %swap3A_57 = vector.load %arg13[%swap3A_55, %swap3A_56] : memref<16x128xf32, #tpu.memory_space<vmem>>, vector<16x128xf32>
    tpu.vector_store %arg13[%swap3A_55, %swap3A_56], %add3A_54 {strides = array<i32>} : memref<16x128xf32, #tpu.memory_space<vmem>>, vector<16x128xf32>,
    %eq3A_58 = arith.constant 24 : i32
    %eq3A_59 = arith.cmpi eq, %arg0, %eq3A_58 : i32
    %convert_element_type3A_60 = arith.extui %eq3A_59 : i1 to i32
    %cond3A_61 = arith.constant 0 : i32
    %cond3A_62 = arith.cmpi ne, %convert_element_type3A_60, %cond3A_61 : i32
    scf.if %cond3A_62 {
      %get3A_63 = arith.constant 0 : index
      %get3A_64 = arith.constant 0 : index
      %get3A_65 = vector.load %arg12[%get3A_63, %get3A_64] : memref<16x128xf32, #tpu.memory_space<vmem>>, vector<16x128xf32>
      %get3A_66 = arith.constant 0 : index
      %get3A_67 = arith.constant 0 : index
      %get3A_68 = vector.load %arg13[%get3A_66, %get3A_67] : memref<16x128xf32, #tpu.memory_space<vmem>>, vector<16x128xf32>
      %max3A_69 = arith.constant 1.000000e+00 : f32
      %max3A_70 = vector.broadcast %max3A_69 : f32 to vector<16x128xf32>
      %max3A_71 = arith.maximumf %get3A_68, %max3A_70 : vector<16x128xf32>
      %div3A = arith.divf %get3A_65, %max3A_71 : vector<16x128xf32>
      %get3A_72 = arith.constant 0 : index
      %get3A_73 = arith.constant 0 : index
      %get3A_74 = vector.load %arg4[%get3A_72, %get3A_73] : memref<16x128xf32, #tpu.memory_space<vmem>>, vector<16x128xf32>
      %get3A_75 = arith.constant 0 : index
      %get3A_76 = arith.constant 0 : index
      %get3A_77 = vector.load %arg7[%get3A_75, %get3A_76] : memref<128x128xf32, #tpu.memory_space<vmem>>, vector<128x128xf32>
      %dot_general3A_78 = arith.constant dense<0.000000e+00> : vector<16x128xf32>
      %dot_general3A_79 = tpu.matmul %get3A_74, %get3A_77, %dot_general3A_78 {dimension_numbers = #tpu.dot_dimension_numbers<[1], [0], [0], [1], [0, 0, 1, 1], [], []>, precision = #tpu.contract_precision<fp32>, transpose_lhs_hint = false} : vector<16x128xf32>, vector<128x128xf32>, vector<16x128xf32> -> vector<16x128xf32>
      %get3A_80 = arith.constant 0 : index
      %get3A_81 = arith.constant 0 : index
      %get3A_82 = vector.load %arg8[%get3A_80, %get3A_81] : memref<128x128xf32, #tpu.memory_space<vmem>>, vector<128x128xf32>
      %dot_general3A_83 = arith.constant dense<0.000000e+00> : vector<16x128xf32>
      %dot_general3A_84 = tpu.matmul %div3A, %get3A_82, %dot_general3A_83 {dimension_numbers = #tpu.dot_dimension_numbers<[1], [0], [0], [1], [0, 0, 1, 1], [], []>, precision = #tpu.contract_precision<fp32>, transpose_lhs_hint = false} : vector<16x128xf32>, vector<128x128xf32>, vector<16x128xf32> -> vector<16x128xf32>
      %add3A_85 = arith.addf %dot_general3A_79, %dot_general3A_84 : vector<16x128xf32>
      %get3A_86 = arith.constant 0 : index
      %get3A_87 = arith.constant 0 : index
      %get3A_88 = vector.load %arg9[%get3A_86, %get3A_87] : memref<1x128xf32, #tpu.memory_space<vmem>>, vector<1x128xf32>
      %add3A_89 = vector.broadcast %get3A_88 : vector<1x128xf32> to vector<16x128xf32>
      %add3A_90 = arith.addf %add3A_85, %add3A_89 : vector<16x128xf32>
      %max3A_91 = arith.constant 0.000000e+00 : f32
      %max3A_92 = vector.broadcast %max3A_91 : f32 to vector<16x128xf32>
      %max3A_93 = arith.maximumf %add3A_90, %max3A_92 : vector<16x128xf32>
      %swap3A_94 = arith.constant 0 : index
      %swap3A_95 = arith.constant 0 : index
      %swap3A_96 = vector.load %arg11[%swap3A_94, %swap3A_95] : memref<16x128xf32, #tpu.memory_space<vmem>>, vector<16x128xf32>
      tpu.vector_store %arg11[%swap3A_94, %swap3A_95], %max3A_93 {strides = array<i32>} : memref<16x128xf32, #tpu.memory_space<vmem>>, vector<16x128xf32>,
    } else {
    }
    return
  }
  func.func @transform_0(%arg0: i32) -> (i32, i32) {
    %c0_i32 = arith.constant 0 : i32
    %c0_i32_0 = arith.constant 0 : i32
    return %arg0, %c0_i32 : i32, i32
  }
  func.func @transform_1(%arg0: i32) -> (i32, i32) {
    %c0_i32 = arith.constant 0 : i32
    %c0_i32_0 = arith.constant 0 : i32
    return %arg0, %c0_i32 : i32, i32
  }
  func.func @transform_2(%arg0: i32) -> (i32, i32) {
    %c0_i32 = arith.constant 0 : i32
    %c0_i32_0 = arith.constant 0 : i32
    return %arg0, %c0_i32 : i32, i32
  }
  func.func @transform_3(%arg0: i32) -> (i32, i32) {
    %c0_i32 = arith.constant 0 : i32
    %c0_i32_0 = arith.constant 0 : i32
    %c0_i32_1 = arith.constant 0 : i32
    return %c0_i32, %c0_i32_0 : i32, i32
  }
  func.func @transform_4(%arg0: i32) -> (i32, i32) {
    %c0_i32 = arith.constant 0 : i32
    %c0_i32_0 = arith.constant 0 : i32
    %c0_i32_1 = arith.constant 0 : i32
    return %c0_i32, %c0_i32_0 : i32, i32
  }
  func.func @transform_5(%arg0: i32) -> (i32, i32) {
    %c0_i32 = arith.constant 0 : i32
    %c0_i32_0 = arith.constant 0 : i32
    %c0_i32_1 = arith.constant 0 : i32
    return %c0_i32, %c0_i32_0 : i32, i32
  }
  func.func @transform_6(%arg0: i32) -> (i32, i32) {
    %c0_i32 = arith.constant 0 : i32
    %c0_i32_0 = arith.constant 0 : i32
    %c0_i32_1 = arith.constant 0 : i32
    return %c0_i32, %c0_i32_0 : i32, i32
  }
  func.func @transform_7(%arg0: i32) -> (i32, i32) {
    %c0_i32 = arith.constant 0 : i32
    %c0_i32_0 = arith.constant 0 : i32
    %c0_i32_1 = arith.constant 0 : i32
    return %c0_i32, %c0_i32_0 : i32, i32
  }
  func.func @transform_8(%arg0: i32) -> (i32, i32) {
    %c0_i32 = arith.constant 0 : i32
    %c0_i32_0 = arith.constant 0 : i32
    %c0_i32_1 = arith.constant 0 : i32
    return %c0_i32, %c0_i32_0 : i32, i32
  }
  func.func @transform_9(%arg0: i32) -> (i32, i32) {
    %c0_i32 = arith.constant 0 : i32
    %c0_i32_0 = arith.constant 0 : i32
    return %arg0, %c0_i32 : i32, i32
  }
  func.func @transform_10(%arg0: i32) -> (i32, i32) {
    %c0_i32 = arith.constant 0 : i32
    %c0_i32_0 = arith.constant 0 : i32
    %c0_i32_1 = arith.constant 0 : i32
    return %c0_i32, %c0_i32_0 : i32, i32
  }
}

</mosaic_0001>

<sc_bundles>
// kernel: kernel.6.cloned.1.call-start
scs
__scs_entry_jumppad:
0x0: {  	(pc) =	sbr.rel $0x88, $3  }
0x1: {  	(tag) =	ssettag $0x0;
	lr =	simm.s32 $0x1  }
0x2: {  	[smem:$0x3F94] =	sst lr;
	_ =	strace $0xD0000000  }
0x3: {  	_ = 	snop  }
0x4: {  	_ = 	snop  }
0x5: {  	_ = 	snop  }
0x6: {  	_ = 	snop  }
0x7: {  	_ = 	snop  }
__scs_overlays_trampoline_lowered:
0x8: {  	[smem:$0x3FA3] =	sst s0  }
0x9: {  	[smem:$0x3FA4] =	sst s1  }
0xa: {  	[smem:$0x3FA5] =	sst s2  }
0xb: {  	[smem:$0x3FA6] =	sst s3  }
0xc: {  	[smem:$0x3FA7] =	sst s4  }
0xd: {  	[smem:$0x3FA8] =	sst s5  }
0xe: {  	[smem:$0x3FA9] =	sst s6  }
0xf: {  	[smem:$0x3FAA] =	sst s7  }
0x10: {  	[smem:$0x3FAB] =	sst s8  }
0x11: {  	[smem:$0x3FAC] =	sst s9;
	s0 =	simm.s32 @!p0 $0x0  }
0x12: {  	s1 =	sld [smem:$0x3F92];
	s0 =	simm.s32 @p0 $0x1  }
0x13: {  	[smem:$0x3FAD] =	sst s0;
	s0 =	simm.s32 @!p1 $0x0  }
0x14: {  	s2 =	sld [smem:$0x3F91];
	s0 =	simm.s32 @p1 $0x1  }
0x15: {  	[smem:$0x3FAE] =	sst s0;
	s0 =	simm.s32 @!p2 $0x0  }
0x16: {  	s3 =	sld [smem:$0x3FDB];
	s0 =	simm.s32 @p2 $0x1  }
0x17: {  	s4 =	simm.s32 $0x1BF5;
	[smem:$0x3FB0] =	sst s0  }
0x18: {  	s0 =	sld [smem:$0x3F93];
	_ =	swait.ge [sflag:s4], $0x0  }
0x19: {  	s7 =	sld [smem:$0x3F94]  }
0x1a: {  	s8 =	sadd.s32 $0xFFFFE003, lr  }
0x1b: {  	s9 =	sadd.s32 $0xFFFFFEF7, lr;
	s5 =	simm.s32 $0xFFFFFFFF;
	p2 =	slt.u32 s8, $0xFFFFF086  }
0x1c: {  	p1 =	slt.u32 s9, $0xF7A;
	s5 =	simm.s32 @!p2 $0x0  }
0x1d: {  	s5 =	simm.s32 @p1 $0x1;
	p0 =	seq.s32 s7, s2  }
0x1e: {  	s7 =	smul.u32 @!p0 $0xF7A, s2;
	p2 =	seq.s32 @!p0 s5, $0x0  }
0x1f: {  	s9 =	smul.u32 $0xF7A, s1;
	s8 =	simm.s32 @!p0 $0x1BF5;
	p2 =	por !p2, p0  }
0x20: {  	[sflag:s8] =	ssyncset.s32 @!p0 $0xFFFFF086;
	s6 =	sadd.s32 @!p0 s3, s7;
	s7 =	simm.s32 @!p0 $0x108  }
0x21: {  	s3 =	sadd.s32 s3, s9;
	s6 =	sadd.s32 @!p0 $0x88, s6;
	s7 =	simm.s32 @p2 $0x1082  }
0x22: {  	[simem:s7], [sflag:s8] =	dma.local @!p0 [hbm:s6], $0xF7A  }
0x23: {  	s9 =	sor.u32 $0xD0000000, s2;
	s6 =	simm.s32 $0x108;
	_ =	swait.ge @!p0 [sflag:s8], $0x0  }
0x24: {  	s3 =	sadd.s32 $0x88, s3;
	s6 =	simm.s32 @!p1 $0x1082;
	[sflag:s4] =	ssyncset.s32 $0xFFFFF086  }
0x25: {  	[simem:s6], [sflag:s4] =	dma.local [hbm:s3], $0xF7A  }
0x26: {  	[smem:$0x3F94] =	sst s1;
	(tag) =	ssettag s2;
	_ =	strace s9  }
0x27: {  	s1 =	sld [smem:$0x3FA4]  }
0x28: {  	s2 =	sld [smem:$0x3FA5]  }
0x29: {  	s4 =	sld [smem:$0x3FA7]  }
0x2a: {  	p0 =	seq.s32 s5, $0x0;
	s5 =	sld [smem:$0x3FA8]  }
0x2b: {  	s6 =	sld [smem:$0x3FA9]  }
0x2c: {  	s7 =	sld [smem:$0x3FAA]  }
0x2d: {  	s3 =	simm.s32 $0x108;
	s8 =	sld [smem:$0x3FAB]  }
0x2e: {  	s3 =	simm.s32 @!p0 $0x1082;
	s9 =	sld [smem:$0x3FAC]  }
0x2f: {  	lr =	sadd.s32 s0, s3;
	s0 =	sld [smem:$0x3FA3]  }
0x30: {  	s3 =	sld [smem:$0x3FA6]  }
0x31: {  	[smem:$0x3FAF] =	sst s10  }
0x32: {  	s10 =	sld [smem:$0x3FAD];
	_ =	sdelay $0x3  }
0x33: {  	p0 =	seq.s32 s10, $0x1;
	s10 =	sld [smem:$0x3FAF];
	_ =	sdelay $0x3  }
0x34: {  	[smem:$0x3FAF] =	sst s10  }
0x35: {  	s10 =	sld [smem:$0x3FAE];
	_ =	sdelay $0x3  }
0x36: {  	p1 =	seq.s32 s10, $0x1;
	s10 =	sld [smem:$0x3FAF];
	_ =	sdelay $0x3  }
0x37: {  	[smem:$0x3FAF] =	sst s10  }
0x38: {  	s10 =	sld [smem:$0x3FB0]  }
0x39: {  	_ = 	snop;
	(pc) =	sbr.ind lr, $3  }
0x3a: {  	_ = 	snop  }
0x3b: {  	_ = 	snop  }
0x3c: {  	p2 =	seq.s32 s10, $0x1;
	s10 =	sld [smem:$0x3FAF]  }
0x3d: {  	_ =	shalt  }
0x3e: {  	_ =	shalt  }
0x3f: {  	_ =	shalt  }
0x40: {  	_ =	shalt  }
0x41: {  	_ =	shalt  }
0x42: {  	_ =	shalt  }
0x43: {  	_ =	shalt  }
0x44: {  	_ =	shalt  }
0x45: {  	_ =	shalt  }
0x46: {  	_ =	shalt  }
0x47: {  	_ =	shalt  }
0x48: {  	_ =	shalt  }
0x49: {  	_ =	shalt  }
0x4a: {  	_ =	shalt  }
0x4b: {  	_ =	shalt  }
0x4c: {  	_ =	shalt  }
0x4d: {  	_ =	shalt  }
0x4e: {  	_ =	shalt  }
0x4f: {  	_ =	shalt  }
0x50: {  	_ =	shalt  }
0x51: {  	_ =	shalt  }
0x52: {  	_ =	shalt  }
0x53: {  	_ =	shalt  }
0x54: {  	_ =	shalt  }
0x55: {  	_ =	shalt  }
0x56: {  	_ =	shalt  }
0x57: {  	_ =	shalt  }
0x58: {  	_ =	shalt  }
0x59: {  	_ =	shalt  }
0x5a: {  	_ =	shalt  }
0x5b: {  	_ =	shalt  }
0x5c: {  	_ =	shalt  }
0x5d: {  	_ =	shalt  }
0x5e: {  	_ =	shalt  }
0x5f: {  	_ =	shalt  }
0x60: {  	_ =	shalt  }
0x61: {  	_ =	shalt  }
0x62: {  	_ =	shalt  }
0x63: {  	_ =	shalt  }
0x64: {  	_ =	shalt  }
0x65: {  	_ =	shalt  }
0x66: {  	_ =	shalt  }
0x67: {  	_ =	shalt  }
0x68: {  	_ =	shalt  }
0x69: {  	_ =	shalt  }
0x6a: {  	_ =	shalt  }
0x6b: {  	_ =	shalt  }
0x6c: {  	_ =	shalt  }
0x6d: {  	_ =	shalt  }
0x6e: {  	_ =	shalt  }
0x6f: {  	_ =	shalt  }
0x70: {  	_ =	shalt  }
0x71: {  	_ =	shalt  }
0x72: {  	_ =	shalt  }
0x73: {  	_ =	shalt  }
0x74: {  	_ =	shalt  }
0x75: {  	_ =	shalt  }
0x76: {  	_ =	shalt  }
0x77: {  	_ =	shalt  }
0x78: {  	_ =	shalt  }
0x79: {  	_ =	shalt  }
0x7a: {  	_ =	shalt  }
0x7b: {  	_ =	shalt  }
0x7c: {  	_ =	shalt  }
0x7d: {  	_ =	shalt  }
0x7e: {  	_ =	shalt  }
0x7f: {  	_ =	shalt  }
0x80: {  	_ =	shalt  }
0x81: {  	_ =	shalt  }
0x82: {  	_ =	shalt  }
0x83: {  	_ =	shalt  }
0x84: {  	_ =	shalt  }
0x85: {  	_ =	shalt  }
0x86: {  	_ =	shalt  }
0x87: {  	_ =	shalt  }
.Lfunc_end0:
.L_simem_size_0:
called_computation_lowered:
.L_overlay_start_0:
0x88: {  	s2 =	sld [smem:$0x3FD9]  }
0x89: {  	s3 =	sld [smem:$0x3FFE];
	_ =	sdelay $0x1  }
0x8a: {  	s1 =	srdreg.scid  }
0x8b: {  	s0 =	sand.u32 $0x1, s1  }
0x8c: {  	s14 =	sshll.u32 s0, $0xA;
	s2 =	sadd.s32 s3, s2  }
0x8d: {  	s2 =	sadd.s32 s2, s14  }
0x8e: {  	[smem:$0x3FBB] =	sst s2  }
0x8f: {  	_ = 	snop  }
0x90: {  	s2 =	sld [smem:$0x3FD0];
	_ =	sdelay $0x2  }
0x91: {  	s15 =	simm.s32 $0xA;
	s4 =	simm.s32 $0x10  }
0x92: {  	[smem:s4], [sflag:s15] =	dma.local [hbm:s2], $0x1  }
0x93: {  	_ =	swait.eq [sflag:s15], $0x1  }
0x94: {  	[sflag:s15] =	ssyncset.done $0x0  }
0x95: {  	[sflag:s15] =	ssyncadd.s32 $0xFFFFFFFF  }
0x96: {  	s16 =	sld [smem:$0x11];
	(tm) =	ssettm $0x1  }
0x97: {  	s17 =	sld [smem:$0x3FFB];
	_ =	sdelay $0x3  }
0x98: {  	_ =	strace s17  }
0x99: {  	s3 =	sld [smem:$0x3FFC];
	_ =	sdelay $0x3  }
0x9a: {  	_ =	strace s3  }
0x9b: {  	s3 =	sld [smem:$0x3FFD];
	_ =	sdelay $0x3  }
0x9c: {  	_ =	strace s3  }
0x9d: {  	_ =	strace $0x8FFFFFFF  }
0x9e: {  	s18 =	sld [smem:$0x3FDB];
	_ =	sdelay $0x1  }
0x9f: {  	s19 =	simm.s32 $_scs_section_size  }
0xa0: {  	s5 =	simm.s32 $_size__tile_overlayer_lowered;
	s6 =	simm.s32 $_tile_overlayer_lowered  }
0xa1: {  	s22 =	simm.s32 $0x1BFF;
	s21 =	sshll.u32 s6, $0x1;
	s3 =	sadd.s32 s19, s18  }
0xa2: {  	s7 =	simm.s32 $0x0;
	s20 =	sshll.u32 s5, $0x1;
	s5 =	sadd.s32 s21, s3  }
0xa3: {  	[timem:s7], [sflag:s22] =	dma.local [hbm:s5], s20  }
0xa4: {  	_ =	swait.ge [sflag:s22], s20  }
0xa5: {  	s4 =	ssub.s32 $0x0, s20;
	[sflag:s22] =	ssyncset.done $0x0  }
0xa6: {  	[sflag:s22] =	ssyncadd.s32 s4;
	_ =	sdelay $0x1  }
0xa7: {  	s23 =	simm.s32 $0x1B8B  }
0xa8: {  	_ =	swait.ge [sflag:s23], $0x1  }
0xa9: {  	[sflag:s23] =	ssyncset.done $0x0  }
0xaa: {  	s25 =	simm.s32 $0x1B8E;
	s24 =	sld [smem:$0x3FFE];
	[sflag:s23] =	ssyncadd.s32 $0xFFFFFFFF  }
0xab: {  	s26 =	simm.s32 $execute0_lowered;
	[smem:$0x3FD2] =	sst s25  }
0xac: {  	s5 =	sshll.u32 s26, $0x1;
	_ =	strace $0x80000046;
	[dreg:$0x1] =	wrdreg $0xFFFFFFFF  }
0xad: {  	s28 =	simm.s32 $_size_execute0_lowered;
	s3 =	sadd.s32 s3, s5;
	[dreg:$0x0] =	wrdreg $0x0  }
0xae: {  	s5 =	sshll.u32 s28, $0x1;
	[dreg:$0x2] =	wrdreg s3  }
0xaf: {  	[dreg:$0x3] =	wrdreg s5  }
0xb0: {  	[dreg:$0x4] =	wrdreg $0xC0  }
0xb1: {  	_ =	task [dreg:s7], $0x5FFFF  }
0xb2: {  	[dreg:$0x1] =	wrdreg $0xFFFFFFFF  }
0xb3: {  	[dreg:$0x0] =	wrdreg $0x60  }
0xb4: {  	[dreg:$0x2] =	wrdreg s24  }
0xb5: {  	[dreg:$0x3] =	wrdreg s16  }
0xb6: {  	[dreg:$0x4] =	wrdreg $0x9  }
0xb7: {  	_ =	task.clear_ibuf [dreg:s7], $0x5FFFF;
	_ =	strace $0x90000046  }
0xb8: {  	s29 =	simm.s32 $0x9;
	_ =	strace $0x80000048  }
0xb9: {  	_ =	swait.ge [sflag:s29], $0x1  }
0xba: {  	[sflag:s29] =	ssyncadd.s32 $0xFFFFFFFF  }
0xbb: {  	_ =	strace $0x90000048  }
0xbc: {  	_ =	sfence  }
0xbd: {  	s30 =	sld [smem:$0x0];
	_ =	sdelay $0x2  }
0xbe: {  	s31 =	sshll.u32 s1, $0xD;
	s1 =	sshrl.u32 s1, $0x2  }
0xbf: {  	s3 =	sand.u32 $0x4000, s31;
	s1 =	sadd.s32 s1, s30  }
0xc0: {  	s0 =	sor.u32 s3, s0;
	s1 =	sshll.u32 s1, $0x11  }
0xc1: {  	s0 =	sor.u32 s1, s0  }
0xc2: {  	s0 =	sadd.s32 $0x8F2B, s0  }
0xc3: {  	[sflag:s0] =	ssyncadd.remote.s32 $0x1  }
0xc4: {  	_ =	sfence.sel $0xFFFF  }
0xc5: {  	[dreg:$0x0] =	wrdreg $0xFFFFFFFF;
	(pc) =	sbr.abs _section_cstart, $3  }
0xc6: {  	[dreg:$0x1] =	wrdreg $0xFFFFFFFF  }
0xc7: {  	_ =	task.clear_ibuf [dreg:s7], $0x2FFFF;
	_ =	strace $0x9FFFFFFF  }
0xc8: {  	(tm) =	ssettm $0x7FFFFFFF  }
0xc9: {  	_ =	shalt  }
tec
execute0_lowered:
.L_overlay_start_1:
0x0: {  	(tag) =	ssettag $0x1  }
0x1: {  	s4 =	rddreg [dreg:$0x0]  }
0x2: {  	s17 =	rddreg [dreg:$0x1]  }
0x3: {  	s0 =	rddreg [dreg:$0x2];
	s3 =	srdreg.scid  }
0x4: {  	s1 =	stileid.u32;
	s2 =	simm.s32 $0x0;
	s23 =	simm.s32 $0x1  }
0x5: {  	s24 =	simm.s32 $0x84D0;
	s5 =	sand.u32 $0x1, s3;
	s29 =	sshll.u32 s1, $0x1  }
0x6: {  	s25 =	simm.s32 $0x0;
	[smem:$0x7FF] =	sst s2;
	s6 =	sor.u32 s5, s29  }
0x7: {  	s3 =	sadd.s32 $0x16800, s4;
	s5 =	ssub.s32 $0x2, s5;
	s13 =	smul.u32 $0x2710, s6  }
0x8: {  	s16 =	sadd.s32 $0xCA00, s4;
	s8 =	sshrl.u32 s5, $0x1;
	s6 =	smul.u32 $0x4E20, s6  }
0x9: {  	s18 =	sadd.s32 $0x2C00, s4;
	_ =	strace $0x80000047;
	s20 =	ssub.s32 s5, s8  }
0xa: {  	s7 =	sshrl.u32 s13, $0x3;
	s5 =	sadd.s32 s17, s6;
	s30 =	sadd.s32 $0x7D0, s13  }
0xb: {  	s11 =	sadd.s32 $0xFA0, s13;
	s14 =	sadd.s32 $0x1770, s13;
	s21 =	sadd.s32 $0x1F40, s13  }
0xc: {  	s20 =	smax.u32 s20, $0x1;
	s19 =	sadd.s32 s7, s4;
	s4 =	sadd.s32 s16, s7  }
0xd: {  	s6 =	sadd.s32 s18, s7;
	s9 =	sshrl.u32 s30, $0x3;
	s31 =	sshll.u32 s30, $0x1  }
0xe: {  	s12 =	sshrl.u32 s11, $0x3;
	s11 =	sshll.u32 s11, $0x1;
	s15 =	sshrl.u32 s14, $0x3  }
0xf: {  	s14 =	sshll.u32 s14, $0x1;
	s22 =	sshrl.u32 s21, $0x3;
	s21 =	sshll.u32 s21, $0x1  }
0x10: {  	s7 =	sadd.s32 s16, s9;
	s8 =	sadd.s32 s17, s31;
	s9 =	sadd.s32 s18, s9  }
0x11: {  	s10 =	sadd.s32 s16, s12;
	s11 =	sadd.s32 s17, s11;
	s12 =	sadd.s32 s18, s12  }
0x12: {  	s13 =	sadd.s32 s16, s15;
	s14 =	sadd.s32 s17, s14;
	s15 =	sadd.s32 s18, s15  }
0x13: {  	s16 =	sadd.s32 s16, s22;
	s17 =	sadd.s32 s17, s21;
	s18 =	sadd.s32 s18, s22  }
0x14: {  	v0 =	vimm.f32 $0.0e+00;
	v1 =	vimm.f32 $1.000000000e+00;
	s19 =	sadd.s32 $0x1B800, s19;
	s21 =	simm.s32 $0x2;
	s22 =	simm.s32 $0x7D0  }
.LBB2_1:
0x15: {  	s26 =	simm.s32 $0x40;
	s28 =	simm.s32 $0x0  }
.LBB2_2:
0x16: {  	p0 =	sne.s32 s26, $0x9C00;
	[tilespmem:s28+$0x84D0] =	vst v0;
	s28 =	smov.u32 s26;
	s26 =	sadd.s32 $0x40, s26  }
.Ltmp0:
0x17: {  	(pc) =	sbr.rel @p0 .LBB2_2-.Ltmp0, $2  }
0x18: {  	_ =	sdelay $0x2  }
0x19: {  	s28 =	sshra.s32 s28, $0x2  }
0x1a: {  	[tilespmem:s28+$0x84D0] =	vst v0;
	s26 =	simm.s32 $0x0  }
0x1b: {  	[tilespmem:s26], [sflag:$0x2] =	stream.linear.gather [hbm4b:s4+s26], $0x7D0, $0x38;
	[tilespmem:$0xABE0] =	vst v63  }
0x1c: {  	_ =	swait.ge [sflag:s21], $0x7D0  }
0x1d: {  	[sflag:s21] =	ssyncset.done $0x0  }
0x1e: {  	[sflag:s21] =	ssyncadd.s32 $0xFFFFF830  }
0x1f: {  	[tilespmem:s22], [sflag:$0x1] =	stream.indirect.gather [hbm4b:s3+s22], $0x10, s26, s22, $0xb8;
	[tilespmem:$0xABE0] =	vst v63  }
0x20: {  	_ =	swait.ge [sflag:s23], $0x7D00  }
0x21: {  	[sflag:s23] =	ssyncset.done $0x0  }
0x22: {  	[sflag:s23] =	ssyncadd.s32 $0xFFFF8300  }
0x23: {  	[hbm4b:s5+s26] =	stream.linear.scatter [tilespmem:s22], [sflag:$0x2], $0x7D00, $0x38;
	[tilespmem:$0xABE0] =	vst v63  }
0x24: {  	_ =	swait.ge [sflag:s21], $0x7D00  }
0x25: {  	[sflag:s21] =	ssyncset.done $0x0  }
0x26: {  	[sflag:s21] =	ssyncadd.s32 $0xFFFF8300  }
0x27: {  	[tilespmem:s26], [sflag:$0x2] =	stream.linear.gather [hbm4b:s6+s26], $0x7D0, $0x38;
	[tilespmem:$0xABE0] =	vst v63  }
0x28: {  	_ =	swait.ge [sflag:s21], $0x7D0  }
0x29: {  	[sflag:s21] =	ssyncset.done $0x0  }
0x2a: {  	s28 =	simm.s32 $0x0;
	s26 =	simm.s32 $0x40;
	[sflag:s21] =	ssyncadd.s32 $0xFFFFF830  }
.LBB2_4:
0x2b: {  	p0 =	sne.s32 s26, $0x1F00;
	v2 =	vld [tilespmem:s28+$0x0];
	_ =	sdelay $0x3  }
.Ltmp1:
0x2c: {  	(pc) =	sbr.rel @p0 .LBB2_4-.Ltmp1, $2  }
0x2d: {  	_ =	sdelay $0x2  }
0x2e: {  	s28 =	sshra.s32 s26, $0x2;
	s26 =	sadd.s32 $0x40, s26;
	[tilespmem:v2+s24+$0x0] =	vst.idx.msk $0xffff, v1  }
0x2f: {  	v2 =	vld [tilespmem:s28+$0x0];
	_ =	sdelay $0x7  }
0x30: {  	s26 =	simm.s32 $0x0;
	[tilespmem:v2+s24+$0x0] =	vst.idx.msk $0xffff, v1  }
0x31: {  	[tilespmem:s26], [sflag:$0x2] =	stream.linear.gather [hbm4b:s7+s26], $0x7D0, $0x38;
	[tilespmem:$0xABE0] =	vst v63  }
0x32: {  	_ =	swait.ge [sflag:s21], $0x7D0  }
0x33: {  	[sflag:s21] =	ssyncset.done $0x0  }
0x34: {  	[sflag:s21] =	ssyncadd.s32 $0xFFFFF830  }
0x35: {  	[tilespmem:s22], [sflag:$0x1] =	stream.indirect.gather [hbm4b:s3+s22], $0x10, s26, s22, $0xb8;
	[tilespmem:$0xABE0] =	vst v63  }
0x36: {  	_ =	swait.ge [sflag:s23], $0x7D00  }
0x37: {  	[sflag:s23] =	ssyncset.done $0x0  }
0x38: {  	[sflag:s23] =	ssyncadd.s32 $0xFFFF8300  }
0x39: {  	[hbm4b:s8+s26] =	stream.linear.scatter [tilespmem:s22], [sflag:$0x2], $0x7D00, $0x38;
	[tilespmem:$0xABE0] =	vst v63  }
0x3a: {  	_ =	swait.ge [sflag:s21], $0x7D00  }
0x3b: {  	[sflag:s21] =	ssyncset.done $0x0  }
0x3c: {  	[sflag:s21] =	ssyncadd.s32 $0xFFFF8300  }
0x3d: {  	[tilespmem:s26], [sflag:$0x2] =	stream.linear.gather [hbm4b:s9+s26], $0x7D0, $0x38;
	[tilespmem:$0xABE0] =	vst v63  }
0x3e: {  	_ =	swait.ge [sflag:s21], $0x7D0  }
0x3f: {  	[sflag:s21] =	ssyncset.done $0x0  }
0x40: {  	s28 =	simm.s32 $0x0;
	s26 =	simm.s32 $0x40;
	[sflag:s21] =	ssyncadd.s32 $0xFFFFF830  }
.LBB2_6:
0x41: {  	p0 =	sne.s32 s26, $0x1F00;
	v2 =	vld [tilespmem:s28+$0x0];
	_ =	sdelay $0x3  }
.Ltmp2:
0x42: {  	(pc) =	sbr.rel @p0 .LBB2_6-.Ltmp2, $2  }
0x43: {  	_ =	sdelay $0x2  }
0x44: {  	s28 =	sshra.s32 s26, $0x2;
	s26 =	sadd.s32 $0x40, s26;
	[tilespmem:v2+s24+$0x0] =	vst.idx.msk $0xffff, v1  }
0x45: {  	v2 =	vld [tilespmem:s28+$0x0];
	_ =	sdelay $0x7  }
0x46: {  	s26 =	simm.s32 $0x0;
	[tilespmem:v2+s24+$0x0] =	vst.idx.msk $0xffff, v1  }
0x47: {  	[tilespmem:s26], [sflag:$0x2] =	stream.linear.gather [hbm4b:s10+s26], $0x7D0, $0x38;
	[tilespmem:$0xABE0] =	vst v63  }
0x48: {  	_ =	swait.ge [sflag:s21], $0x7D0  }
0x49: {  	[sflag:s21] =	ssyncset.done $0x0  }
0x4a: {  	[sflag:s21] =	ssyncadd.s32 $0xFFFFF830  }
0x4b: {  	[tilespmem:s22], [sflag:$0x1] =	stream.indirect.gather [hbm4b:s3+s22], $0x10, s26, s22, $0xb8;
	[tilespmem:$0xABE0] =	vst v63  }
0x4c: {  	_ =	swait.ge [sflag:s23], $0x7D00  }
0x4d: {  	[sflag:s23] =	ssyncset.done $0x0  }
0x4e: {  	[sflag:s23] =	ssyncadd.s32 $0xFFFF8300  }
0x4f: {  	[hbm4b:s11+s26] =	stream.linear.scatter [tilespmem:s22], [sflag:$0x2], $0x7D00, $0x38;
	[tilespmem:$0xABE0] =	vst v63  }
0x50: {  	_ =	swait.ge [sflag:s21], $0x7D00  }
0x51: {  	[sflag:s21] =	ssyncset.done $0x0  }
0x52: {  	[sflag:s21] =	ssyncadd.s32 $0xFFFF8300  }
0x53: {  	[tilespmem:s26], [sflag:$0x2] =	stream.linear.gather [hbm4b:s12+s26], $0x7D0, $0x38;
	[tilespmem:$0xABE0] =	vst v63  }
0x54: {  	_ =	swait.ge [sflag:s21], $0x7D0  }
0x55: {  	[sflag:s21] =	ssyncset.done $0x0  }
0x56: {  	s28 =	simm.s32 $0x0;
	s26 =	simm.s32 $0x40;
	[sflag:s21] =	ssyncadd.s32 $0xFFFFF830  }
.LBB2_8:
0x57: {  	p0 =	sne.s32 s26, $0x1F00;
	v2 =	vld [tilespmem:s28+$0x0];
	_ =	sdelay $0x3  }
.Ltmp3:
0x58: {  	(pc) =	sbr.rel @p0 .LBB2_8-.Ltmp3, $2  }
0x59: {  	_ =	sdelay $0x2  }
0x5a: {  	s28 =	sshra.s32 s26, $0x2;
	s26 =	sadd.s32 $0x40, s26;
	[tilespmem:v2+s24+$0x0] =	vst.idx.msk $0xffff, v1  }
0x5b: {  	v2 =	vld [tilespmem:s28+$0x0];
	_ =	sdelay $0x7  }
0x5c: {  	s26 =	simm.s32 $0x0;
	[tilespmem:v2+s24+$0x0] =	vst.idx.msk $0xffff, v1  }
0x5d: {  	[tilespmem:s26], [sflag:$0x2] =	stream.linear.gather [hbm4b:s13+s26], $0x7D0, $0x38;
	[tilespmem:$0xABE0] =	vst v63  }
0x5e: {  	_ =	swait.ge [sflag:s21], $0x7D0  }
0x5f: {  	[sflag:s21] =	ssyncset.done $0x0  }
0x60: {  	[sflag:s21] =	ssyncadd.s32 $0xFFFFF830  }
0x61: {  	[tilespmem:s22], [sflag:$0x1] =	stream.indirect.gather [hbm4b:s3+s22], $0x10, s26, s22, $0xb8;
	[tilespmem:$0xABE0] =	vst v63  }
0x62: {  	_ =	swait.ge [sflag:s23], $0x7D00  }
0x63: {  	[sflag:s23] =	ssyncset.done $0x0  }
0x64: {  	[sflag:s23] =	ssyncadd.s32 $0xFFFF8300  }
0x65: {  	[hbm4b:s14+s26] =	stream.linear.scatter [tilespmem:s22], [sflag:$0x2], $0x7D00, $0x38;
	[tilespmem:$0xABE0] =	vst v63  }
0x66: {  	_ =	swait.ge [sflag:s21], $0x7D00  }
0x67: {  	[sflag:s21] =	ssyncset.done $0x0  }
0x68: {  	[sflag:s21] =	ssyncadd.s32 $0xFFFF8300  }
0x69: {  	[tilespmem:s26], [sflag:$0x2] =	stream.linear.gather [hbm4b:s15+s26], $0x7D0, $0x38;
	[tilespmem:$0xABE0] =	vst v63  }
0x6a: {  	_ =	swait.ge [sflag:s21], $0x7D0  }
0x6b: {  	[sflag:s21] =	ssyncset.done $0x0  }
0x6c: {  	s28 =	simm.s32 $0x0;
	s26 =	simm.s32 $0x40;
	[sflag:s21] =	ssyncadd.s32 $0xFFFFF830  }
.LBB2_10:
0x6d: {  	p0 =	sne.s32 s26, $0x1F00;
	v2 =	vld [tilespmem:s28+$0x0];
	_ =	sdelay $0x3  }
.Ltmp4:
0x6e: {  	(pc) =	sbr.rel @p0 .LBB2_10-.Ltmp4, $2  }
0x6f: {  	_ =	sdelay $0x2  }
0x70: {  	s28 =	sshra.s32 s26, $0x2;
	s26 =	sadd.s32 $0x40, s26;
	[tilespmem:v2+s24+$0x0] =	vst.idx.msk $0xffff, v1  }
0x71: {  	v2 =	vld [tilespmem:s28+$0x0];
	_ =	sdelay $0x7  }
0x72: {  	s26 =	simm.s32 $0x0;
	[tilespmem:v2+s24+$0x0] =	vst.idx.msk $0xffff, v1  }
0x73: {  	[tilespmem:s26], [sflag:$0x2] =	stream.linear.gather [hbm4b:s16+s26], $0x7D0, $0x38;
	[tilespmem:$0xABE0] =	vst v63  }
0x74: {  	_ =	swait.ge [sflag:s21], $0x7D0  }
0x75: {  	[sflag:s21] =	ssyncset.done $0x0  }
0x76: {  	[sflag:s21] =	ssyncadd.s32 $0xFFFFF830  }
0x77: {  	[tilespmem:s22], [sflag:$0x1] =	stream.indirect.gather [hbm4b:s3+s22], $0x10, s26, s22, $0xb8;
	[tilespmem:$0xABE0] =	vst v63  }
0x78: {  	_ =	swait.ge [sflag:s23], $0x7D00  }
0x79: {  	[sflag:s23] =	ssyncset.done $0x0  }
0x7a: {  	[sflag:s23] =	ssyncadd.s32 $0xFFFF8300  }
0x7b: {  	[hbm4b:s17+s26] =	stream.linear.scatter [tilespmem:s22], [sflag:$0x2], $0x7D00, $0x38;
	[tilespmem:$0xABE0] =	vst v63  }
0x7c: {  	_ =	swait.ge [sflag:s21], $0x7D00  }
0x7d: {  	[sflag:s21] =	ssyncset.done $0x0  }
0x7e: {  	[sflag:s21] =	ssyncadd.s32 $0xFFFF8300  }
0x7f: {  	[tilespmem:s26], [sflag:$0x2] =	stream.linear.gather [hbm4b:s18+s26], $0x7D0, $0x38;
	[tilespmem:$0xABE0] =	vst v63  }
0x80: {  	_ =	swait.ge [sflag:s21], $0x7D0  }
0x81: {  	[sflag:s21] =	ssyncset.done $0x0  }
0x82: {  	s28 =	simm.s32 $0x0;
	s26 =	simm.s32 $0x40;
	[sflag:s21] =	ssyncadd.s32 $0xFFFFF830  }
.LBB2_12:
0x83: {  	p0 =	sne.s32 s26, $0x1F00;
	v2 =	vld [tilespmem:s28+$0x0];
	_ =	sdelay $0x3  }
.Ltmp5:
0x84: {  	(pc) =	sbr.rel @p0 .LBB2_12-.Ltmp5, $2  }
0x85: {  	_ =	sdelay $0x2  }
0x86: {  	s28 =	sshra.s32 s26, $0x2;
	s26 =	sadd.s32 $0x40, s26;
	[tilespmem:v2+s24+$0x0] =	vst.idx.msk $0xffff, v1  }
0x87: {  	v2 =	vld [tilespmem:s28+$0x0];
	_ =	sdelay $0x5  }
0x88: {  	s25 =	sadd.s32 $0x1, s25  }
0x89: {  	p0 =	sne.s32 s25, s20  }
.Ltmp6:
0x8a: {  	[tilespmem:v2+s24+$0x0] =	vst.idx.msk $0xffff, v1;
	(pc) =	sbr.rel @p0 .LBB2_1-.Ltmp6, $4  }
0x8b: {  	[hbm4b:s19+s2] =	stream.linear.scatter [tilespmem:s24], [sflag:$0x2], $0x2710, $0x38;
	[tilespmem:$0xABE0] =	vst v63  }
0x8c: {  	_ =	swait.ge [sflag:s21], $0x2710  }
0x8d: {  	[sflag:s21] =	ssyncset.done $0x0  }
0x8e: {  	[sflag:s21] =	ssyncadd.s32 $0xFFFFD8F0  }
0x8f: {  	_ =	sfence.sel $0x180000  }
0x90: {  	[bflag:$0x0] =	sbarrier.arrive $0xFFFF  }
0x91: {  	p0 =	sne.s32 s1, $0x0;
	_ =	strace $0x90000047  }
0x92: {  	s0 =	sadd.s32 @!p0 $0x100000, s0;
	[bflag:$0x2] =	sbarrier.arrive $0xFFFF  }
0x93: {  	[sflag:s0] =	ssyncadd.tile.s32 @!p0 $0x1;
	_ =	shalt  }
.Lfunc_end2:
_tile_overlayer_lowered:
.L_overlay_start_2:
0x94: {  	(tag) =	ssettag $0x2  }
0x95: {  	s0 =	rddreg [dreg:$0x0];
	s2 =	stileid.u32  }
0x96: {  	s1 =	rddreg [dreg:$0x1];
	p0 =	sne.s32 s2, $0x0  }
0x97: {  	s3 =	rddreg [dreg:$0x2];
	[bflag:$0x3] =	sbarrier.arrive $0xFFFF;
	s2 =	simm.s32 @!p0 $0x1C02  }
0x98: {  	[timem:s3], [sflag:s2] =	dma.local @!p0 [hbm:s0], s1  }
0x99: {  	s0 =	simm.s32 @!p0 $0x2  }
0x9a: {  	_ =	swait.ge @!p0 [sflag:s0], s1  }
0x9b: {  	s1 =	ssub.s32 @!p0 $0x0, s1;
	[sflag:s0] =	ssyncset.done @!p0 $0x0  }
0x9c: {  	[sflag:s0] =	ssyncadd.s32 @!p0 s1  }
0x9d: {  	[bflag:$0x3] =	sbarrier.arrive $0xFFFF  }
0x9e: {  	_ =	shalt  }

</sc_bundles>
